<compile_context>
chip_gen: v7x
topology: tpu7x:2x2x1
jax: 0.10.2.dev20260603
libtpu: 0.0.44.dev20260713+nightly
codegen_flags: <defaults>
</compile_context>

<pallas_src>
import functools

import jax
import jax.numpy as jnp
from jax import lax
from jax.experimental import pallas as pl
from jax.experimental.pallas import tpu as pltpu
from jax.experimental.pallas import tpu_sc as plsc

EMBED = 64
SCALE = 8.0
LANES = 16

NC = 2
NS = 16
NW = NC * NS


@functools.lru_cache(maxsize=None)
def _build_sc_gather(b_total: int, chunk: int):
    b_per_w = b_total // NW
    n_chunks = b_per_w // chunk
    mesh = plsc.VectorSubcoreMesh(core_axis_name="c", subcore_axis_name="s")

    @functools.partial(
        pl.kernel,
        mesh=mesh,
        out_type=jax.ShapeDtypeStruct((b_total, EMBED), jnp.float32),
        scratch_types=[
            pltpu.VMEM((b_per_w,), jnp.int32),
            pltpu.VMEM((chunk, EMBED), jnp.float32),
            pltpu.SemaphoreType.DMA,
            pltpu.SemaphoreType.DMA,
            pltpu.SemaphoreType.DMA,
            pltpu.SemaphoreType.DMA,
        ],
    )
    def emb_kernel(table_hbm, idx_hbm, out_hbm, idx_v, buf,
                   sem0, sem1, sem2, sem3):
        sems = (sem0, sem1, sem2, sem3)
        wid = lax.axis_index("s") * NC + lax.axis_index("c")
        base = wid * b_per_w
        pltpu.sync_copy(idx_hbm.at[pl.ds(base, b_per_w)], idx_v)

        def chunk_body(c, carry):
            cb = c * chunk

            def group_gather(g, carry2):
                vec = idx_v[pl.ds(cb + g * LANES, LANES)]
                for j in range(LANES):
                    row = vec[j]
                    pltpu.async_copy(
                        table_hbm.at[pl.ds(row, 1)],
                        buf.at[pl.ds(g * LANES + j, 1)],
                        sems[j % 4],
                    )
                return carry2

            lax.fori_loop(0, chunk // LANES, group_gather, 0)
            for q in range(4):
                pltpu.make_async_copy(
                    table_hbm.at[pl.ds(0, chunk // 4)],
                    buf.at[pl.ds(0, chunk // 4)],
                    sems[q],
                ).wait()

            def row_scale(r, carry2):
                for j in range(EMBED // LANES):
                    sl = pl.ds(j * LANES, LANES)
                    buf[r, sl] = buf[r, sl] * SCALE
                return carry2

            lax.fori_loop(0, chunk, row_scale, 0)
            pltpu.sync_copy(buf, out_hbm.at[pl.ds(base + cb, chunk)])
            return carry

        lax.fori_loop(0, n_chunks, chunk_body, 0)

    return emb_kernel


def kernel(x, table):
    b_total = x.shape[0] * x.shape[1]
    idx = x.reshape(-1).astype(jnp.int32)
    emb = _build_sc_gather(b_total, 800)(table, idx)
    return emb.reshape(x.shape[0], x.shape[1], EMBED)

# --- scband reference (transcript-rebuilt; emitter-appended) ---
"""Pipeline reference for scband-embedding-layer-1958505087220 (READ-ONLY COPY).

The authoritative reference and input builder live on the scoring server;
editing this copy changes nothing except your own understanding.
"""

import jax, jax.numpy as jnp
import numpy as np

VOCAB = 1000000
EMBED = 64

def setup_inputs(seed: int = 0) -> dict:
    key = jax.random.key(seed)
    k1, k2 = jax.random.split(key)
    x = jax.random.randint(k1, (4096, 50), 0, VOCAB)
    table = jax.random.normal(k2, (VOCAB, EMBED), dtype=jnp.float32)
    return {"x": x, "table": table}

def reference(x, table):
    # EmbeddingLayer.forward: embedding(x) * sqrt(embed_size)
    emb = jnp.take(table, x, axis=0)
    return emb * jnp.sqrt(jnp.asarray(EMBED, dtype=jnp.float32))

if __name__ == "__main__":
    import jax
    _d = setup_inputs()
    print(jax.jit(kernel)(*tuple(_d.values())))

</pallas_src>

<mosaic_0001>
#map = affine_map<(d0, d1) -> (0, 0)>
#map1 = affine_map<(d0, d1) -> (0)>
module attributes {stable_mosaic.version = 14 : i64} {
  func.func @emb_kernel(%arg0: i32, %arg1: i32, %arg2: memref<1000000x64xf32, #tpu.memory_space<hbm>>, %arg3: memref<204800xi32, #tpu.memory_space<hbm>>, %arg4: memref<204800x64xf32, #tpu.memory_space<hbm>>, %arg5: memref<6400xi32, #tpu.memory_space<vmem>>, %arg6: memref<800x64xf32, #tpu.memory_space<vmem>>, %arg7: memref<!tpu.dma_semaphore, #tpu.memory_space<semaphore_mem>>, %arg8: memref<!tpu.dma_semaphore, #tpu.memory_space<semaphore_mem>>, %arg9: memref<!tpu.dma_semaphore, #tpu.memory_space<semaphore_mem>>, %arg10: memref<!tpu.dma_semaphore, #tpu.memory_space<semaphore_mem>>) attributes {dimension_semantics = [#tpu.dimension_semantics<core_parallel>, #tpu.dimension_semantics<subcore_parallel>], iteration_bounds = array<i64: 2, 16>, scalar_prefetch = 0 : i64, scratch_operands = 6 : i64, tpu.core_type = #tpu.core_type<sc_vector_subcore>, window_params = [{transform_indices = #map}, {transform_indices = #map1}, {transform_indices = #map}]} {
    %mul3A = arith.constant 2 : i32
    %mul3A_0 = arith.muli %arg1, %mul3A : i32
    %add3A = arith.addi %mul3A_0, %arg0 : i32
    %mul3A_1 = arith.constant 6400 : i32
    %mul3A_2 = arith.muli %add3A, %mul3A_1 : i32
    "tpu.region"() ({
      %run_scoped3A = tpu.sem_alloc : memref<!tpu.dma_semaphore, #tpu.memory_space<semaphore_mem>>
      %dma_start3A = tpu.memref_slice %arg3[%mul3A_2] : memref<204800xi32, #tpu.memory_space<hbm>> -> memref<6400xi32, #tpu.memory_space<hbm>>
      %dma_start3A_8 = tpu.memref_slice %arg3[%mul3A_2] : memref<204800xi32, #tpu.memory_space<hbm>> -> memref<6400xi32, #tpu.memory_space<hbm>>
      tpu.enqueue_dma source(%dma_start3A_8 : memref<6400xi32, #tpu.memory_space<hbm>>) target(%arg5 : memref<6400xi32, #tpu.memory_space<vmem>>) target_semaphore(%run_scoped3A : memref<!tpu.dma_semaphore, #tpu.memory_space<semaphore_mem>>)
      %dma_wait3A = tpu.memref_slice %arg3[%mul3A_2] : memref<204800xi32, #tpu.memory_space<hbm>> -> memref<6400xi32, #tpu.memory_space<hbm>>
      %dma_wait3A_9 = tpu.memref_slice %arg3[%mul3A_2] : memref<204800xi32, #tpu.memory_space<hbm>> -> memref<6400xi32, #tpu.memory_space<hbm>>
      tpu.wait_dma2 semaphore(%run_scoped3A : memref<!tpu.dma_semaphore, #tpu.memory_space<semaphore_mem>>) src(%dma_wait3A_9 : memref<6400xi32, #tpu.memory_space<hbm>>) dst(%arg5 : memref<6400xi32, #tpu.memory_space<vmem>>)
      tpu.yield
    }) : () -> ()
    %scan3A = arith.constant 0 : i32
    %scan3A_3 = arith.constant 0 : i32
    %scan3A_4 = arith.constant 8 : i32
    %scan3A_5 = arith.addi %scan3A_3, %scan3A_4 : i32
    %scan3A_6 = arith.constant 1 : i32
    scf.for %scan3A_8 = %scan3A_3 to %scan3A_5 step %scan3A_6  : i32 {
      %mul3A_9 = arith.constant 800 : i32
      %mul3A_10 = arith.muli %scan3A_8, %mul3A_9 : i32
      %scan3A_11 = arith.constant 0 : i32
      %scan3A_12 = arith.constant 0 : i32
      %scan3A_13 = arith.constant 50 : i32
      %scan3A_14 = arith.addi %scan3A_12, %scan3A_13 : i32
      %scan3A_15 = arith.constant 1 : i32
      scf.for %scan3A_71 = %scan3A_12 to %scan3A_14 step %scan3A_15  : i32 {
        %mul3A_72 = arith.constant 16 : i32
        %mul3A_73 = arith.muli %scan3A_71, %mul3A_72 : i32
        %add3A_74 = arith.addi %mul3A_10, %mul3A_73 : i32
        %get3A = arith.index_cast %add3A_74 : i32 to index
        %get3A_75 = tpu.vector_load %arg5[%get3A] {strides = array<i32>} : memref<6400xi32, #tpu.memory_space<vmem>>, vector<16xi32>,
        %get3A_76 = vector.shape_cast %get3A_75 : vector<16xi32> to vector<16xi32>
        %slice3A = vector.extract_strided_slice %get3A_76 {offsets = [0], sizes = [1], strides = [1]} : vector<16xi32> to vector<1xi32>
        %squeeze3A = vector.extract %slice3A[0] : i32 from vector<1xi32>
        %mul3A_77 = arith.constant 16 : i32
        %mul3A_78 = arith.muli %scan3A_71, %mul3A_77 : i32
        %add3A_79 = arith.constant 0 : i32
        %add3A_80 = arith.addi %mul3A_78, %add3A_79 : i32
        %dma_start3A = arith.constant 0 : i32
        %dma_start3A_81 = tpu.memref_slice %arg6[%add3A_80, %dma_start3A] : memref<800x64xf32, #tpu.memory_space<vmem>> -> memref<1x64xf32, #tpu.memory_space<vmem>>
        %dma_start3A_82 = arith.constant 0 : i32
        %dma_start3A_83 = tpu.memref_slice %arg2[%squeeze3A, %dma_start3A_82] : memref<1000000x64xf32, #tpu.memory_space<hbm>> -> memref<1x64xf32, #tpu.memory_space<hbm>>
        %dma_start3A_84 = arith.constant 0 : i32
        %dma_start3A_85 = tpu.memref_slice %arg6[%add3A_80, %dma_start3A_84] : memref<800x64xf32, #tpu.memory_space<vmem>> -> memref<1x64xf32, #tpu.memory_space<vmem>>
        %dma_start3A_86 = arith.constant 0 : i32
        %dma_start3A_87 = tpu.memref_slice %arg2[%squeeze3A, %dma_start3A_86] : memref<1000000x64xf32, #tpu.memory_space<hbm>> -> memref<1x64xf32, #tpu.memory_space<hbm>>
        tpu.enqueue_dma source(%dma_start3A_87 : memref<1x64xf32, #tpu.memory_space<hbm>>) target(%dma_start3A_85 : memref<1x64xf32, #tpu.memory_space<vmem>>) target_semaphore(%arg7 : memref<!tpu.dma_semaphore, #tpu.memory_space<semaphore_mem>>)
        %slice3A_88 = vector.extract_strided_slice %get3A_76 {offsets = [1], sizes = [1], strides = [1]} : vector<16xi32> to vector<1xi32>
        %squeeze3A_89 = vector.extract %slice3A_88[0] : i32 from vector<1xi32>
        %mul3A_90 = arith.constant 16 : i32
        %mul3A_91 = arith.muli %scan3A_71, %mul3A_90 : i32
        %add3A_92 = arith.constant 1 : i32
        %add3A_93 = arith.addi %mul3A_91, %add3A_92 : i32
        %dma_start3A_94 = arith.constant 0 : i32
        %dma_start3A_95 = tpu.memref_slice %arg6[%add3A_93, %dma_start3A_94] : memref<800x64xf32, #tpu.memory_space<vmem>> -> memref<1x64xf32, #tpu.memory_space<vmem>>
        %dma_start3A_96 = arith.constant 0 : i32
        %dma_start3A_97 = tpu.memref_slice %arg2[%squeeze3A_89, %dma_start3A_96] : memref<1000000x64xf32, #tpu.memory_space<hbm>> -> memref<1x64xf32, #tpu.memory_space<hbm>>
        %dma_start3A_98 = arith.constant 0 : i32
        %dma_start3A_99 = tpu.memref_slice %arg6[%add3A_93, %dma_start3A_98] : memref<800x64xf32, #tpu.memory_space<vmem>> -> memref<1x64xf32, #tpu.memory_space<vmem>>
        %dma_start3A_100 = arith.constant 0 : i32
        %dma_start3A_101 = tpu.memref_slice %arg2[%squeeze3A_89, %dma_start3A_100] : memref<1000000x64xf32, #tpu.memory_space<hbm>> -> memref<1x64xf32, #tpu.memory_space<hbm>>
        tpu.enqueue_dma source(%dma_start3A_101 : memref<1x64xf32, #tpu.memory_space<hbm>>) target(%dma_start3A_99 : memref<1x64xf32, #tpu.memory_space<vmem>>) target_semaphore(%arg8 : memref<!tpu.dma_semaphore, #tpu.memory_space<semaphore_mem>>)
        %slice3A_102 = vector.extract_strided_slice %get3A_76 {offsets = [2], sizes = [1], strides = [1]} : vector<16xi32> to vector<1xi32>
        %squeeze3A_103 = vector.extract %slice3A_102[0] : i32 from vector<1xi32>
        %mul3A_104 = arith.constant 16 : i32
        %mul3A_105 = arith.muli %scan3A_71, %mul3A_104 : i32
        %add3A_106 = arith.constant 2 : i32
        %add3A_107 = arith.addi %mul3A_105, %add3A_106 : i32
        %dma_start3A_108 = arith.constant 0 : i32
        %dma_start3A_109 = tpu.memref_slice %arg6[%add3A_107, %dma_start3A_108] : memref<800x64xf32, #tpu.memory_space<vmem>> -> memref<1x64xf32, #tpu.memory_space<vmem>>
        %dma_start3A_110 = arith.constant 0 : i32
        %dma_start3A_111 = tpu.memref_slice %arg2[%squeeze3A_103, %dma_start3A_110] : memref<1000000x64xf32, #tpu.memory_space<hbm>> -> memref<1x64xf32, #tpu.memory_space<hbm>>
        %dma_start3A_112 = arith.constant 0 : i32
        %dma_start3A_113 = tpu.memref_slice %arg6[%add3A_107, %dma_start3A_112] : memref<800x64xf32, #tpu.memory_space<vmem>> -> memref<1x64xf32, #tpu.memory_space<vmem>>
        %dma_start3A_114 = arith.constant 0 : i32
        %dma_start3A_115 = tpu.memref_slice %arg2[%squeeze3A_103, %dma_start3A_114] : memref<1000000x64xf32, #tpu.memory_space<hbm>> -> memref<1x64xf32, #tpu.memory_space<hbm>>
        tpu.enqueue_dma source(%dma_start3A_115 : memref<1x64xf32, #tpu.memory_space<hbm>>) target(%dma_start3A_113 : memref<1x64xf32, #tpu.memory_space<vmem>>) target_semaphore(%arg9 : memref<!tpu.dma_semaphore, #tpu.memory_space<semaphore_mem>>)
        %slice3A_116 = vector.extract_strided_slice %get3A_76 {offsets = [3], sizes = [1], strides = [1]} : vector<16xi32> to vector<1xi32>
        %squeeze3A_117 = vector.extract %slice3A_116[0] : i32 from vector<1xi32>
        %mul3A_118 = arith.constant 16 : i32
        %mul3A_119 = arith.muli %scan3A_71, %mul3A_118 : i32
        %add3A_120 = arith.constant 3 : i32
        %add3A_121 = arith.addi %mul3A_119, %add3A_120 : i32
        %dma_start3A_122 = arith.constant 0 : i32
        %dma_start3A_123 = tpu.memref_slice %arg6[%add3A_121, %dma_start3A_122] : memref<800x64xf32, #tpu.memory_space<vmem>> -> memref<1x64xf32, #tpu.memory_space<vmem>>
        %dma_start3A_124 = arith.constant 0 : i32
        %dma_start3A_125 = tpu.memref_slice %arg2[%squeeze3A_117, %dma_start3A_124] : memref<1000000x64xf32, #tpu.memory_space<hbm>> -> memref<1x64xf32, #tpu.memory_space<hbm>>
        %dma_start3A_126 = arith.constant 0 : i32
        %dma_start3A_127 = tpu.memref_slice %arg6[%add3A_121, %dma_start3A_126] : memref<800x64xf32, #tpu.memory_space<vmem>> -> memref<1x64xf32, #tpu.memory_space<vmem>>
        %dma_start3A_128 = arith.constant 0 : i32
        %dma_start3A_129 = tpu.memref_slice %arg2[%squeeze3A_117, %dma_start3A_128] : memref<1000000x64xf32, #tpu.memory_space<hbm>> -> memref<1x64xf32, #tpu.memory_space<hbm>>
        tpu.enqueue_dma source(%dma_start3A_129 : memref<1x64xf32, #tpu.memory_space<hbm>>) target(%dma_start3A_127 : memref<1x64xf32, #tpu.memory_space<vmem>>) target_semaphore(%arg10 : memref<!tpu.dma_semaphore, #tpu.memory_space<semaphore_mem>>)
        %slice3A_130 = vector.extract_strided_slice %get3A_76 {offsets = [4], sizes = [1], strides = [1]} : vector<16xi32> to vector<1xi32>
        %squeeze3A_131 = vector.extract %slice3A_130[0] : i32 from vector<1xi32>
        %mul3A_132 = arith.constant 16 : i32
        %mul3A_133 = arith.muli %scan3A_71, %mul3A_132 : i32
        %add3A_134 = arith.constant 4 : i32
        %add3A_135 = arith.addi %mul3A_133, %add3A_134 : i32
        %dma_start3A_136 = arith.constant 0 : i32
        %dma_start3A_137 = tpu.memref_slice %arg6[%add3A_135, %dma_start3A_136] : memref<800x64xf32, #tpu.memory_space<vmem>> -> memref<1x64xf32, #tpu.memory_space<vmem>>
        %dma_start3A_138 = arith.constant 0 : i32
        %dma_start3A_139 = tpu.memref_slice %arg2[%squeeze3A_131, %dma_start3A_138] : memref<1000000x64xf32, #tpu.memory_space<hbm>> -> memref<1x64xf32, #tpu.memory_space<hbm>>
        %dma_start3A_140 = arith.constant 0 : i32
        %dma_start3A_141 = tpu.memref_slice %arg6[%add3A_135, %dma_start3A_140] : memref<800x64xf32, #tpu.memory_space<vmem>> -> memref<1x64xf32, #tpu.memory_space<vmem>>
        %dma_start3A_142 = arith.constant 0 : i32
        %dma_start3A_143 = tpu.memref_slice %arg2[%squeeze3A_131, %dma_start3A_142] : memref<1000000x64xf32, #tpu.memory_space<hbm>> -> memref<1x64xf32, #tpu.memory_space<hbm>>
        tpu.enqueue_dma source(%dma_start3A_143 : memref<1x64xf32, #tpu.memory_space<hbm>>) target(%dma_start3A_141 : memref<1x64xf32, #tpu.memory_space<vmem>>) target_semaphore(%arg7 : memref<!tpu.dma_semaphore, #tpu.memory_space<semaphore_mem>>)
        %slice3A_144 = vector.extract_strided_slice %get3A_76 {offsets = [5], sizes = [1], strides = [1]} : vector<16xi32> to vector<1xi32>
        %squeeze3A_145 = vector.extract %slice3A_144[0] : i32 from vector<1xi32>
        %mul3A_146 = arith.constant 16 : i32
        %mul3A_147 = arith.muli %scan3A_71, %mul3A_146 : i32
        %add3A_148 = arith.constant 5 : i32
        %add3A_149 = arith.addi %mul3A_147, %add3A_148 : i32
        %dma_start3A_150 = arith.constant 0 : i32
        %dma_start3A_151 = tpu.memref_slice %arg6[%add3A_149, %dma_start3A_150] : memref<800x64xf32, #tpu.memory_space<vmem>> -> memref<1x64xf32, #tpu.memory_space<vmem>>
        %dma_start3A_152 = arith.constant 0 : i32
        %dma_start3A_153 = tpu.memref_slice %arg2[%squeeze3A_145, %dma_start3A_152] : memref<1000000x64xf32, #tpu.memory_space<hbm>> -> memref<1x64xf32, #tpu.memory_space<hbm>>
        %dma_start3A_154 = arith.constant 0 : i32
        %dma_start3A_155 = tpu.memref_slice %arg6[%add3A_149, %dma_start3A_154] : memref<800x64xf32, #tpu.memory_space<vmem>> -> memref<1x64xf32, #tpu.memory_space<vmem>>
        %dma_start3A_156 = arith.constant 0 : i32
        %dma_start3A_157 = tpu.memref_slice %arg2[%squeeze3A_145, %dma_start3A_156] : memref<1000000x64xf32, #tpu.memory_space<hbm>> -> memref<1x64xf32, #tpu.memory_space<hbm>>
        tpu.enqueue_dma source(%dma_start3A_157 : memref<1x64xf32, #tpu.memory_space<hbm>>) target(%dma_start3A_155 : memref<1x64xf32, #tpu.memory_space<vmem>>) target_semaphore(%arg8 : memref<!tpu.dma_semaphore, #tpu.memory_space<semaphore_mem>>)
        %slice3A_158 = vector.extract_strided_slice %get3A_76 {offsets = [6], sizes = [1], strides = [1]} : vector<16xi32> to vector<1xi32>
        %squeeze3A_159 = vector.extract %slice3A_158[0] : i32 from vector<1xi32>
        %mul3A_160 = arith.constant 16 : i32
        %mul3A_161 = arith.muli %scan3A_71, %mul3A_160 : i32
        %add3A_162 = arith.constant 6 : i32
        %add3A_163 = arith.addi %mul3A_161, %add3A_162 : i32
        %dma_start3A_164 = arith.constant 0 : i32
        %dma_start3A_165 = tpu.memref_slice %arg6[%add3A_163, %dma_start3A_164] : memref<800x64xf32, #tpu.memory_space<vmem>> -> memref<1x64xf32, #tpu.memory_space<vmem>>
        %dma_start3A_166 = arith.constant 0 : i32
        %dma_start3A_167 = tpu.memref_slice %arg2[%squeeze3A_159, %dma_start3A_166] : memref<1000000x64xf32, #tpu.memory_space<hbm>> -> memref<1x64xf32, #tpu.memory_space<hbm>>
        %dma_start3A_168 = arith.constant 0 : i32
        %dma_start3A_169 = tpu.memref_slice %arg6[%add3A_163, %dma_start3A_168] : memref<800x64xf32, #tpu.memory_space<vmem>> -> memref<1x64xf32, #tpu.memory_space<vmem>>
        %dma_start3A_170 = arith.constant 0 : i32
        %dma_start3A_171 = tpu.memref_slice %arg2[%squeeze3A_159, %dma_start3A_170] : memref<1000000x64xf32, #tpu.memory_space<hbm>> -> memref<1x64xf32, #tpu.memory_space<hbm>>
        tpu.enqueue_dma source(%dma_start3A_171 : memref<1x64xf32, #tpu.memory_space<hbm>>) target(%dma_start3A_169 : memref<1x64xf32, #tpu.memory_space<vmem>>) target_semaphore(%arg9 : memref<!tpu.dma_semaphore, #tpu.memory_space<semaphore_mem>>)
        %slice3A_172 = vector.extract_strided_slice %get3A_76 {offsets = [7], sizes = [1], strides = [1]} : vector<16xi32> to vector<1xi32>
        %squeeze3A_173 = vector.extract %slice3A_172[0] : i32 from vector<1xi32>
        %mul3A_174 = arith.constant 16 : i32
        %mul3A_175 = arith.muli %scan3A_71, %mul3A_174 : i32
        %add3A_176 = arith.constant 7 : i32
        %add3A_177 = arith.addi %mul3A_175, %add3A_176 : i32
        %dma_start3A_178 = arith.constant 0 : i32
        %dma_start3A_179 = tpu.memref_slice %arg6[%add3A_177, %dma_start3A_178] : memref<800x64xf32, #tpu.memory_space<vmem>> -> memref<1x64xf32, #tpu.memory_space<vmem>>
        %dma_start3A_180 = arith.constant 0 : i32
        %dma_start3A_181 = tpu.memref_slice %arg2[%squeeze3A_173, %dma_start3A_180] : memref<1000000x64xf32, #tpu.memory_space<hbm>> -> memref<1x64xf32, #tpu.memory_space<hbm>>
        %dma_start3A_182 = arith.constant 0 : i32
        %dma_start3A_183 = tpu.memref_slice %arg6[%add3A_177, %dma_start3A_182] : memref<800x64xf32, #tpu.memory_space<vmem>> -> memref<1x64xf32, #tpu.memory_space<vmem>>
        %dma_start3A_184 = arith.constant 0 : i32
        %dma_start3A_185 = tpu.memref_slice %arg2[%squeeze3A_173, %dma_start3A_184] : memref<1000000x64xf32, #tpu.memory_space<hbm>> -> memref<1x64xf32, #tpu.memory_space<hbm>>
        tpu.enqueue_dma source(%dma_start3A_185 : memref<1x64xf32, #tpu.memory_space<hbm>>) target(%dma_start3A_183 : memref<1x64xf32, #tpu.memory_space<vmem>>) target_semaphore(%arg10 : memref<!tpu.dma_semaphore, #tpu.memory_space<semaphore_mem>>)
        %slice3A_186 = vector.extract_strided_slice %get3A_76 {offsets = [8], sizes = [1], strides = [1]} : vector<16xi32> to vector<1xi32>
        %squeeze3A_187 = vector.extract %slice3A_186[0] : i32 from vector<1xi32>
        %mul3A_188 = arith.constant 16 : i32
        %mul3A_189 = arith.muli %scan3A_71, %mul3A_188 : i32
        %add3A_190 = arith.constant 8 : i32
        %add3A_191 = arith.addi %mul3A_189, %add3A_190 : i32
        %dma_start3A_192 = arith.constant 0 : i32
        %dma_start3A_193 = tpu.memref_slice %arg6[%add3A_191, %dma_start3A_192] : memref<800x64xf32, #tpu.memory_space<vmem>> -> memref<1x64xf32, #tpu.memory_space<vmem>>
        %dma_start3A_194 = arith.constant 0 : i32
        %dma_start3A_195 = tpu.memref_slice %arg2[%squeeze3A_187, %dma_start3A_194] : memref<1000000x64xf32, #tpu.memory_space<hbm>> -> memref<1x64xf32, #tpu.memory_space<hbm>>
        %dma_start3A_196 = arith.constant 0 : i32
        %dma_start3A_197 = tpu.memref_slice %arg6[%add3A_191, %dma_start3A_196] : memref<800x64xf32, #tpu.memory_space<vmem>> -> memref<1x64xf32, #tpu.memory_space<vmem>>
        %dma_start3A_198 = arith.constant 0 : i32
        %dma_start3A_199 = tpu.memref_slice %arg2[%squeeze3A_187, %dma_start3A_198] : memref<1000000x64xf32, #tpu.memory_space<hbm>> -> memref<1x64xf32, #tpu.memory_space<hbm>>
        tpu.enqueue_dma source(%dma_start3A_199 : memref<1x64xf32, #tpu.memory_space<hbm>>) target(%dma_start3A_197 : memref<1x64xf32, #tpu.memory_space<vmem>>) target_semaphore(%arg7 : memref<!tpu.dma_semaphore, #tpu.memory_space<semaphore_mem>>)
        %slice3A_200 = vector.extract_strided_slice %get3A_76 {offsets = [9], sizes = [1], strides = [1]} : vector<16xi32> to vector<1xi32>
        %squeeze3A_201 = vector.extract %slice3A_200[0] : i32 from vector<1xi32>
        %mul3A_202 = arith.constant 16 : i32
        %mul3A_203 = arith.muli %scan3A_71, %mul3A_202 : i32
        %add3A_204 = arith.constant 9 : i32
        %add3A_205 = arith.addi %mul3A_203, %add3A_204 : i32
        %dma_start3A_206 = arith.constant 0 : i32
        %dma_start3A_207 = tpu.memref_slice %arg6[%add3A_205, %dma_start3A_206] : memref<800x64xf32, #tpu.memory_space<vmem>> -> memref<1x64xf32, #tpu.memory_space<vmem>>
        %dma_start3A_208 = arith.constant 0 : i32
        %dma_start3A_209 = tpu.memref_slice %arg2[%squeeze3A_201, %dma_start3A_208] : memref<1000000x64xf32, #tpu.memory_space<hbm>> -> memref<1x64xf32, #tpu.memory_space<hbm>>
        %dma_start3A_210 = arith.constant 0 : i32
        %dma_start3A_211 = tpu.memref_slice %arg6[%add3A_205, %dma_start3A_210] : memref<800x64xf32, #tpu.memory_space<vmem>> -> memref<1x64xf32, #tpu.memory_space<vmem>>
        %dma_start3A_212 = arith.constant 0 : i32
        %dma_start3A_213 = tpu.memref_slice %arg2[%squeeze3A_201, %dma_start3A_212] : memref<1000000x64xf32, #tpu.memory_space<hbm>> -> memref<1x64xf32, #tpu.memory_space<hbm>>
        tpu.enqueue_dma source(%dma_start3A_213 : memref<1x64xf32, #tpu.memory_space<hbm>>) target(%dma_start3A_211 : memref<1x64xf32, #tpu.memory_space<vmem>>) target_semaphore(%arg8 : memref<!tpu.dma_semaphore, #tpu.memory_space<semaphore_mem>>)
        %slice3A_214 = vector.extract_strided_slice %get3A_76 {offsets = [10], sizes = [1], strides = [1]} : vector<16xi32> to vector<1xi32>
        %squeeze3A_215 = vector.extract %slice3A_214[0] : i32 from vector<1xi32>
        %mul3A_216 = arith.constant 16 : i32
        %mul3A_217 = arith.muli %scan3A_71, %mul3A_216 : i32
        %add3A_218 = arith.constant 10 : i32
        %add3A_219 = arith.addi %mul3A_217, %add3A_218 : i32
        %dma_start3A_220 = arith.constant 0 : i32
        %dma_start3A_221 = tpu.memref_slice %arg6[%add3A_219, %dma_start3A_220] : memref<800x64xf32, #tpu.memory_space<vmem>> -> memref<1x64xf32, #tpu.memory_space<vmem>>
        %dma_start3A_222 = arith.constant 0 : i32
        %dma_start3A_223 = tpu.memref_slice %arg2[%squeeze3A_215, %dma_start3A_222] : memref<1000000x64xf32, #tpu.memory_space<hbm>> -> memref<1x64xf32, #tpu.memory_space<hbm>>
        %dma_start3A_224 = arith.constant 0 : i32
        %dma_start3A_225 = tpu.memref_slice %arg6[%add3A_219, %dma_start3A_224] : memref<800x64xf32, #tpu.memory_space<vmem>> -> memref<1x64xf32, #tpu.memory_space<vmem>>
        %dma_start3A_226 = arith.constant 0 : i32
        %dma_start3A_227 = tpu.memref_slice %arg2[%squeeze3A_215, %dma_start3A_226] : memref<1000000x64xf32, #tpu.memory_space<hbm>> -> memref<1x64xf32, #tpu.memory_space<hbm>>
        tpu.enqueue_dma source(%dma_start3A_227 : memref<1x64xf32, #tpu.memory_space<hbm>>) target(%dma_start3A_225 : memref<1x64xf32, #tpu.memory_space<vmem>>) target_semaphore(%arg9 : memref<!tpu.dma_semaphore, #tpu.memory_space<semaphore_mem>>)
        %slice3A_228 = vector.extract_strided_slice %get3A_76 {offsets = [11], sizes = [1], strides = [1]} : vector<16xi32> to vector<1xi32>
        %squeeze3A_229 = vector.extract %slice3A_228[0] : i32 from vector<1xi32>
        %mul3A_230 = arith.constant 16 : i32
        %mul3A_231 = arith.muli %scan3A_71, %mul3A_230 : i32
        %add3A_232 = arith.constant 11 : i32
        %add3A_233 = arith.addi %mul3A_231, %add3A_232 : i32
        %dma_start3A_234 = arith.constant 0 : i32
        %dma_start3A_235 = tpu.memref_slice %arg6[%add3A_233, %dma_start3A_234] : memref<800x64xf32, #tpu.memory_space<vmem>> -> memref<1x64xf32, #tpu.memory_space<vmem>>
        %dma_start3A_236 = arith.constant 0 : i32
        %dma_start3A_237 = tpu.memref_slice %arg2[%squeeze3A_229, %dma_start3A_236] : memref<1000000x64xf32, #tpu.memory_space<hbm>> -> memref<1x64xf32, #tpu.memory_space<hbm>>
        %dma_start3A_238 = arith.constant 0 : i32
        %dma_start3A_239 = tpu.memref_slice %arg6[%add3A_233, %dma_start3A_238] : memref<800x64xf32, #tpu.memory_space<vmem>> -> memref<1x64xf32, #tpu.memory_space<vmem>>
        %dma_start3A_240 = arith.constant 0 : i32
        %dma_start3A_241 = tpu.memref_slice %arg2[%squeeze3A_229, %dma_start3A_240] : memref<1000000x64xf32, #tpu.memory_space<hbm>> -> memref<1x64xf32, #tpu.memory_space<hbm>>
        tpu.enqueue_dma source(%dma_start3A_241 : memref<1x64xf32, #tpu.memory_space<hbm>>) target(%dma_start3A_239 : memref<1x64xf32, #tpu.memory_space<vmem>>) target_semaphore(%arg10 : memref<!tpu.dma_semaphore, #tpu.memory_space<semaphore_mem>>)
        %slice3A_242 = vector.extract_strided_slice %get3A_76 {offsets = [12], sizes = [1], strides = [1]} : vector<16xi32> to vector<1xi32>
        %squeeze3A_243 = vector.extract %slice3A_242[0] : i32 from vector<1xi32>
        %mul3A_244 = arith.constant 16 : i32
        %mul3A_245 = arith.muli %scan3A_71, %mul3A_244 : i32
        %add3A_246 = arith.constant 12 : i32
        %add3A_247 = arith.addi %mul3A_245, %add3A_246 : i32
        %dma_start3A_248 = arith.constant 0 : i32
        %dma_start3A_249 = tpu.memref_slice %arg6[%add3A_247, %dma_start3A_248] : memref<800x64xf32, #tpu.memory_space<vmem>> -> memref<1x64xf32, #tpu.memory_space<vmem>>
        %dma_start3A_250 = arith.constant 0 : i32
        %dma_start3A_251 = tpu.memref_slice %arg2[%squeeze3A_243, %dma_start3A_250] : memref<1000000x64xf32, #tpu.memory_space<hbm>> -> memref<1x64xf32, #tpu.memory_space<hbm>>
        %dma_start3A_252 = arith.constant 0 : i32
        %dma_start3A_253 = tpu.memref_slice %arg6[%add3A_247, %dma_start3A_252] : memref<800x64xf32, #tpu.memory_space<vmem>> -> memref<1x64xf32, #tpu.memory_space<vmem>>
        %dma_start3A_254 = arith.constant 0 : i32
        %dma_start3A_255 = tpu.memref_slice %arg2[%squeeze3A_243, %dma_start3A_254] : memref<1000000x64xf32, #tpu.memory_space<hbm>> -> memref<1x64xf32, #tpu.memory_space<hbm>>
        tpu.enqueue_dma source(%dma_start3A_255 : memref<1x64xf32, #tpu.memory_space<hbm>>) target(%dma_start3A_253 : memref<1x64xf32, #tpu.memory_space<vmem>>) target_semaphore(%arg7 : memref<!tpu.dma_semaphore, #tpu.memory_space<semaphore_mem>>)
        %slice3A_256 = vector.extract_strided_slice %get3A_76 {offsets = [13], sizes = [1], strides = [1]} : vector<16xi32> to vector<1xi32>
        %squeeze3A_257 = vector.extract %slice3A_256[0] : i32 from vector<1xi32>
        %mul3A_258 = arith.constant 16 : i32
        %mul3A_259 = arith.muli %scan3A_71, %mul3A_258 : i32
        %add3A_260 = arith.constant 13 : i32
        %add3A_261 = arith.addi %mul3A_259, %add3A_260 : i32
        %dma_start3A_262 = arith.constant 0 : i32
        %dma_start3A_263 = tpu.memref_slice %arg6[%add3A_261, %dma_start3A_262] : memref<800x64xf32, #tpu.memory_space<vmem>> -> memref<1x64xf32, #tpu.memory_space<vmem>>
        %dma_start3A_264 = arith.constant 0 : i32
        %dma_start3A_265 = tpu.memref_slice %arg2[%squeeze3A_257, %dma_start3A_264] : memref<1000000x64xf32, #tpu.memory_space<hbm>> -> memref<1x64xf32, #tpu.memory_space<hbm>>
        %dma_start3A_266 = arith.constant 0 : i32
        %dma_start3A_267 = tpu.memref_slice %arg6[%add3A_261, %dma_start3A_266] : memref<800x64xf32, #tpu.memory_space<vmem>> -> memref<1x64xf32, #tpu.memory_space<vmem>>
        %dma_start3A_268 = arith.constant 0 : i32
        %dma_start3A_269 = tpu.memref_slice %arg2[%squeeze3A_257, %dma_start3A_268] : memref<1000000x64xf32, #tpu.memory_space<hbm>> -> memref<1x64xf32, #tpu.memory_space<hbm>>
        tpu.enqueue_dma source(%dma_start3A_269 : memref<1x64xf32, #tpu.memory_space<hbm>>) target(%dma_start3A_267 : memref<1x64xf32, #tpu.memory_space<vmem>>) target_semaphore(%arg8 : memref<!tpu.dma_semaphore, #tpu.memory_space<semaphore_mem>>)
        %slice3A_270 = vector.extract_strided_slice %get3A_76 {offsets = [14], sizes = [1], strides = [1]} : vector<16xi32> to vector<1xi32>
        %squeeze3A_271 = vector.extract %slice3A_270[0] : i32 from vector<1xi32>
        %mul3A_272 = arith.constant 16 : i32
        %mul3A_273 = arith.muli %scan3A_71, %mul3A_272 : i32
        %add3A_274 = arith.constant 14 : i32
        %add3A_275 = arith.addi %mul3A_273, %add3A_274 : i32
        %dma_start3A_276 = arith.constant 0 : i32
        %dma_start3A_277 = tpu.memref_slice %arg6[%add3A_275, %dma_start3A_276] : memref<800x64xf32, #tpu.memory_space<vmem>> -> memref<1x64xf32, #tpu.memory_space<vmem>>
        %dma_start3A_278 = arith.constant 0 : i32
        %dma_start3A_279 = tpu.memref_slice %arg2[%squeeze3A_271, %dma_start3A_278] : memref<1000000x64xf32, #tpu.memory_space<hbm>> -> memref<1x64xf32, #tpu.memory_space<hbm>>
        %dma_start3A_280 = arith.constant 0 : i32
        %dma_start3A_281 = tpu.memref_slice %arg6[%add3A_275, %dma_start3A_280] : memref<800x64xf32, #tpu.memory_space<vmem>> -> memref<1x64xf32, #tpu.memory_space<vmem>>
        %dma_start3A_282 = arith.constant 0 : i32
        %dma_start3A_283 = tpu.memref_slice %arg2[%squeeze3A_271, %dma_start3A_282] : memref<1000000x64xf32, #tpu.memory_space<hbm>> -> memref<1x64xf32, #tpu.memory_space<hbm>>
        tpu.enqueue_dma source(%dma_start3A_283 : memref<1x64xf32, #tpu.memory_space<hbm>>) target(%dma_start3A_281 : memref<1x64xf32, #tpu.memory_space<vmem>>) target_semaphore(%arg9 : memref<!tpu.dma_semaphore, #tpu.memory_space<semaphore_mem>>)
        %slice3A_284 = vector.extract_strided_slice %get3A_76 {offsets = [15], sizes = [1], strides = [1]} : vector<16xi32> to vector<1xi32>
        %squeeze3A_285 = vector.extract %slice3A_284[0] : i32 from vector<1xi32>
        %mul3A_286 = arith.constant 16 : i32
        %mul3A_287 = arith.muli %scan3A_71, %mul3A_286 : i32
        %add3A_288 = arith.constant 15 : i32
        %add3A_289 = arith.addi %mul3A_287, %add3A_288 : i32
        %dma_start3A_290 = arith.constant 0 : i32
        %dma_start3A_291 = tpu.memref_slice %arg6[%add3A_289, %dma_start3A_290] : memref<800x64xf32, #tpu.memory_space<vmem>> -> memref<1x64xf32, #tpu.memory_space<vmem>>
        %dma_start3A_292 = arith.constant 0 : i32
        %dma_start3A_293 = tpu.memref_slice %arg2[%squeeze3A_285, %dma_start3A_292] : memref<1000000x64xf32, #tpu.memory_space<hbm>> -> memref<1x64xf32, #tpu.memory_space<hbm>>
        %dma_start3A_294 = arith.constant 0 : i32
        %dma_start3A_295 = tpu.memref_slice %arg6[%add3A_289, %dma_start3A_294] : memref<800x64xf32, #tpu.memory_space<vmem>> -> memref<1x64xf32, #tpu.memory_space<vmem>>
        %dma_start3A_296 = arith.constant 0 : i32
        %dma_start3A_297 = tpu.memref_slice %arg2[%squeeze3A_285, %dma_start3A_296] : memref<1000000x64xf32, #tpu.memory_space<hbm>> -> memref<1x64xf32, #tpu.memory_space<hbm>>
        tpu.enqueue_dma source(%dma_start3A_297 : memref<1x64xf32, #tpu.memory_space<hbm>>) target(%dma_start3A_295 : memref<1x64xf32, #tpu.memory_space<vmem>>) target_semaphore(%arg10 : memref<!tpu.dma_semaphore, #tpu.memory_space<semaphore_mem>>)
      }
      %scan3A_16 = arith.constant 50 : i32
      %dma_wait3A = arith.constant 0 : i32
      %dma_wait3A_17 = arith.constant 0 : i32
      %dma_wait3A_18 = tpu.memref_slice %arg6[%dma_wait3A, %dma_wait3A_17] : memref<800x64xf32, #tpu.memory_space<vmem>> -> memref<200x64xf32, #tpu.memory_space<vmem>>
      %dma_wait3A_19 = arith.constant 0 : i32
      %dma_wait3A_20 = arith.constant 0 : i32
      %dma_wait3A_21 = tpu.memref_slice %arg2[%dma_wait3A_19, %dma_wait3A_20] : memref<1000000x64xf32, #tpu.memory_space<hbm>> -> memref<200x64xf32, #tpu.memory_space<hbm>>
      %dma_wait3A_22 = arith.constant 0 : i32
      %dma_wait3A_23 = arith.constant 0 : i32
      %dma_wait3A_24 = tpu.memref_slice %arg6[%dma_wait3A_22, %dma_wait3A_23] : memref<800x64xf32, #tpu.memory_space<vmem>> -> memref<200x64xf32, #tpu.memory_space<vmem>>
      %dma_wait3A_25 = arith.constant 0 : i32
      %dma_wait3A_26 = arith.constant 0 : i32
      %dma_wait3A_27 = tpu.memref_slice %arg2[%dma_wait3A_25, %dma_wait3A_26] : memref<1000000x64xf32, #tpu.memory_space<hbm>> -> memref<200x64xf32, #tpu.memory_space<hbm>>
      tpu.wait_dma2 semaphore(%arg7 : memref<!tpu.dma_semaphore, #tpu.memory_space<semaphore_mem>>) src(%dma_wait3A_27 : memref<200x64xf32, #tpu.memory_space<hbm>>) dst(%dma_wait3A_24 : memref<200x64xf32, #tpu.memory_space<vmem>>)
      %dma_wait3A_28 = arith.constant 0 : i32
      %dma_wait3A_29 = arith.constant 0 : i32
      %dma_wait3A_30 = tpu.memref_slice %arg6[%dma_wait3A_28, %dma_wait3A_29] : memref<800x64xf32, #tpu.memory_space<vmem>> -> memref<200x64xf32, #tpu.memory_space<vmem>>
      %dma_wait3A_31 = arith.constant 0 : i32
      %dma_wait3A_32 = arith.constant 0 : i32
      %dma_wait3A_33 = tpu.memref_slice %arg2[%dma_wait3A_31, %dma_wait3A_32] : memref<1000000x64xf32, #tpu.memory_space<hbm>> -> memref<200x64xf32, #tpu.memory_space<hbm>>
      %dma_wait3A_34 = arith.constant 0 : i32
      %dma_wait3A_35 = arith.constant 0 : i32
      %dma_wait3A_36 = tpu.memref_slice %arg6[%dma_wait3A_34, %dma_wait3A_35] : memref<800x64xf32, #tpu.memory_space<vmem>> -> memref<200x64xf32, #tpu.memory_space<vmem>>
      %dma_wait3A_37 = arith.constant 0 : i32
      %dma_wait3A_38 = arith.constant 0 : i32
      %dma_wait3A_39 = tpu.memref_slice %arg2[%dma_wait3A_37, %dma_wait3A_38] : memref<1000000x64xf32, #tpu.memory_space<hbm>> -> memref<200x64xf32, #tpu.memory_space<hbm>>
      tpu.wait_dma2 semaphore(%arg8 : memref<!tpu.dma_semaphore, #tpu.memory_space<semaphore_mem>>) src(%dma_wait3A_39 : memref<200x64xf32, #tpu.memory_space<hbm>>) dst(%dma_wait3A_36 : memref<200x64xf32, #tpu.memory_space<vmem>>)
      %dma_wait3A_40 = arith.constant 0 : i32
      %dma_wait3A_41 = arith.constant 0 : i32
      %dma_wait3A_42 = tpu.memref_slice %arg6[%dma_wait3A_40, %dma_wait3A_41] : memref<800x64xf32, #tpu.memory_space<vmem>> -> memref<200x64xf32, #tpu.memory_space<vmem>>
      %dma_wait3A_43 = arith.constant 0 : i32
      %dma_wait3A_44 = arith.constant 0 : i32
      %dma_wait3A_45 = tpu.memref_slice %arg2[%dma_wait3A_43, %dma_wait3A_44] : memref<1000000x64xf32, #tpu.memory_space<hbm>> -> memref<200x64xf32, #tpu.memory_space<hbm>>
      %dma_wait3A_46 = arith.constant 0 : i32
      %dma_wait3A_47 = arith.constant 0 : i32
      %dma_wait3A_48 = tpu.memref_slice %arg6[%dma_wait3A_46, %dma_wait3A_47] : memref<800x64xf32, #tpu.memory_space<vmem>> -> memref<200x64xf32, #tpu.memory_space<vmem>>
      %dma_wait3A_49 = arith.constant 0 : i32
      %dma_wait3A_50 = arith.constant 0 : i32
      %dma_wait3A_51 = tpu.memref_slice %arg2[%dma_wait3A_49, %dma_wait3A_50] : memref<1000000x64xf32, #tpu.memory_space<hbm>> -> memref<200x64xf32, #tpu.memory_space<hbm>>
      tpu.wait_dma2 semaphore(%arg9 : memref<!tpu.dma_semaphore, #tpu.memory_space<semaphore_mem>>) src(%dma_wait3A_51 : memref<200x64xf32, #tpu.memory_space<hbm>>) dst(%dma_wait3A_48 : memref<200x64xf32, #tpu.memory_space<vmem>>)
      %dma_wait3A_52 = arith.constant 0 : i32
      %dma_wait3A_53 = arith.constant 0 : i32
      %dma_wait3A_54 = tpu.memref_slice %arg6[%dma_wait3A_52, %dma_wait3A_53] : memref<800x64xf32, #tpu.memory_space<vmem>> -> memref<200x64xf32, #tpu.memory_space<vmem>>
      %dma_wait3A_55 = arith.constant 0 : i32
      %dma_wait3A_56 = arith.constant 0 : i32
      %dma_wait3A_57 = tpu.memref_slice %arg2[%dma_wait3A_55, %dma_wait3A_56] : memref<1000000x64xf32, #tpu.memory_space<hbm>> -> memref<200x64xf32, #tpu.memory_space<hbm>>
      %dma_wait3A_58 = arith.constant 0 : i32
      %dma_wait3A_59 = arith.constant 0 : i32
      %dma_wait3A_60 = tpu.memref_slice %arg6[%dma_wait3A_58, %dma_wait3A_59] : memref<800x64xf32, #tpu.memory_space<vmem>> -> memref<200x64xf32, #tpu.memory_space<vmem>>
      %dma_wait3A_61 = arith.constant 0 : i32
      %dma_wait3A_62 = arith.constant 0 : i32
      %dma_wait3A_63 = tpu.memref_slice %arg2[%dma_wait3A_61, %dma_wait3A_62] : memref<1000000x64xf32, #tpu.memory_space<hbm>> -> memref<200x64xf32, #tpu.memory_space<hbm>>
      tpu.wait_dma2 semaphore(%arg10 : memref<!tpu.dma_semaphore, #tpu.memory_space<semaphore_mem>>) src(%dma_wait3A_63 : memref<200x64xf32, #tpu.memory_space<hbm>>) dst(%dma_wait3A_60 : memref<200x64xf32, #tpu.memory_space<vmem>>)
      %scan3A_64 = arith.constant 0 : i32
      %scan3A_65 = arith.constant 0 : i32
      %scan3A_66 = arith.constant 800 : i32
      %scan3A_67 = arith.addi %scan3A_65, %scan3A_66 : i32
      %scan3A_68 = arith.constant 1 : i32
      scf.for %scan3A_71 = %scan3A_65 to %scan3A_67 step %scan3A_68  : i32 {
        %get3A = arith.index_cast %scan3A_71 : i32 to index
        %get3A_72 = arith.constant 0 : index
        %get3A_73 = tpu.vector_load %arg6[%get3A, %get3A_72] {strides = array<i32>} : memref<800x64xf32, #tpu.memory_space<vmem>>, vector<1x16xf32>,
        %get3A_74 = vector.shape_cast %get3A_73 : vector<1x16xf32> to vector<16xf32>
        %mul3A_75 = arith.constant 8.000000e+00 : f32
        %mul3A_76 = vector.broadcast %mul3A_75 : f32 to vector<16xf32>
        %mul3A_77 = arith.mulf %get3A_74, %mul3A_76 : vector<16xf32>
        %swap3A = arith.index_cast %scan3A_71 : i32 to index
        %swap3A_78 = arith.constant 0 : index
        %swap3A_79 = tpu.vector_load %arg6[%swap3A, %swap3A_78] {strides = array<i32>} : memref<800x64xf32, #tpu.memory_space<vmem>>, vector<1x16xf32>,
        %swap3A_80 = vector.shape_cast %swap3A_79 : vector<1x16xf32> to vector<16xf32>
        %swap3A_81 = vector.shape_cast %mul3A_77 : vector<16xf32> to vector<1x16xf32>
        tpu.vector_store %arg6[%swap3A, %swap3A_78], %swap3A_81 {strides = array<i32>} : memref<800x64xf32, #tpu.memory_space<vmem>>, vector<1x16xf32>,
        %get3A_82 = arith.index_cast %scan3A_71 : i32 to index
        %get3A_83 = arith.constant 16 : index
        %get3A_84 = tpu.vector_load %arg6[%get3A_82, %get3A_83] {strides = array<i32>} : memref<800x64xf32, #tpu.memory_space<vmem>>, vector<1x16xf32>,
        %get3A_85 = vector.shape_cast %get3A_84 : vector<1x16xf32> to vector<16xf32>
        %mul3A_86 = arith.constant 8.000000e+00 : f32
        %mul3A_87 = vector.broadcast %mul3A_86 : f32 to vector<16xf32>
        %mul3A_88 = arith.mulf %get3A_85, %mul3A_87 : vector<16xf32>
        %swap3A_89 = arith.index_cast %scan3A_71 : i32 to index
        %swap3A_90 = arith.constant 16 : index
        %swap3A_91 = tpu.vector_load %arg6[%swap3A_89, %swap3A_90] {strides = array<i32>} : memref<800x64xf32, #tpu.memory_space<vmem>>, vector<1x16xf32>,
        %swap3A_92 = vector.shape_cast %swap3A_91 : vector<1x16xf32> to vector<16xf32>
        %swap3A_93 = vector.shape_cast %mul3A_88 : vector<16xf32> to vector<1x16xf32>
        tpu.vector_store %arg6[%swap3A_89, %swap3A_90], %swap3A_93 {strides = array<i32>} : memref<800x64xf32, #tpu.memory_space<vmem>>, vector<1x16xf32>,
        %get3A_94 = arith.index_cast %scan3A_71 : i32 to index
        %get3A_95 = arith.constant 32 : index
        %get3A_96 = tpu.vector_load %arg6[%get3A_94, %get3A_95] {strides = array<i32>} : memref<800x64xf32, #tpu.memory_space<vmem>>, vector<1x16xf32>,
        %get3A_97 = vector.shape_cast %get3A_96 : vector<1x16xf32> to vector<16xf32>
        %mul3A_98 = arith.constant 8.000000e+00 : f32
        %mul3A_99 = vector.broadcast %mul3A_98 : f32 to vector<16xf32>
        %mul3A_100 = arith.mulf %get3A_97, %mul3A_99 : vector<16xf32>
        %swap3A_101 = arith.index_cast %scan3A_71 : i32 to index
        %swap3A_102 = arith.constant 32 : index
        %swap3A_103 = tpu.vector_load %arg6[%swap3A_101, %swap3A_102] {strides = array<i32>} : memref<800x64xf32, #tpu.memory_space<vmem>>, vector<1x16xf32>,
        %swap3A_104 = vector.shape_cast %swap3A_103 : vector<1x16xf32> to vector<16xf32>
        %swap3A_105 = vector.shape_cast %mul3A_100 : vector<16xf32> to vector<1x16xf32>
        tpu.vector_store %arg6[%swap3A_101, %swap3A_102], %swap3A_105 {strides = array<i32>} : memref<800x64xf32, #tpu.memory_space<vmem>>, vector<1x16xf32>,
        %get3A_106 = arith.index_cast %scan3A_71 : i32 to index
        %get3A_107 = arith.constant 48 : index
        %get3A_108 = tpu.vector_load %arg6[%get3A_106, %get3A_107] {strides = array<i32>} : memref<800x64xf32, #tpu.memory_space<vmem>>, vector<1x16xf32>,
        %get3A_109 = vector.shape_cast %get3A_108 : vector<1x16xf32> to vector<16xf32>
        %mul3A_110 = arith.constant 8.000000e+00 : f32
        %mul3A_111 = vector.broadcast %mul3A_110 : f32 to vector<16xf32>
        %mul3A_112 = arith.mulf %get3A_109, %mul3A_111 : vector<16xf32>
        %swap3A_113 = arith.index_cast %scan3A_71 : i32 to index
        %swap3A_114 = arith.constant 48 : index
        %swap3A_115 = tpu.vector_load %arg6[%swap3A_113, %swap3A_114] {strides = array<i32>} : memref<800x64xf32, #tpu.memory_space<vmem>>, vector<1x16xf32>,
        %swap3A_116 = vector.shape_cast %swap3A_115 : vector<1x16xf32> to vector<16xf32>
        %swap3A_117 = vector.shape_cast %mul3A_112 : vector<16xf32> to vector<1x16xf32>
        tpu.vector_store %arg6[%swap3A_113, %swap3A_114], %swap3A_117 {strides = array<i32>} : memref<800x64xf32, #tpu.memory_space<vmem>>, vector<1x16xf32>,
      }
      %scan3A_69 = arith.constant 800 : i32
      %add3A_70 = arith.addi %mul3A_2, %mul3A_10 : i32
      "tpu.region"() ({
        %run_scoped3A = tpu.sem_alloc : memref<!tpu.dma_semaphore, #tpu.memory_space<semaphore_mem>>
        %dma_start3A = arith.constant 0 : i32
        %dma_start3A_71 = tpu.memref_slice %arg4[%add3A_70, %dma_start3A] : memref<204800x64xf32, #tpu.memory_space<hbm>> -> memref<800x64xf32, #tpu.memory_space<hbm>>
        %dma_start3A_72 = arith.constant 0 : i32
        %dma_start3A_73 = tpu.memref_slice %arg4[%add3A_70, %dma_start3A_72] : memref<204800x64xf32, #tpu.memory_space<hbm>> -> memref<800x64xf32, #tpu.memory_space<hbm>>
        tpu.enqueue_dma source(%arg6 : memref<800x64xf32, #tpu.memory_space<vmem>>) target(%dma_start3A_73 : memref<800x64xf32, #tpu.memory_space<hbm>>) target_semaphore(%run_scoped3A : memref<!tpu.dma_semaphore, #tpu.memory_space<semaphore_mem>>)
        %dma_wait3A_74 = arith.constant 0 : i32
        %dma_wait3A_75 = tpu.memref_slice %arg4[%add3A_70, %dma_wait3A_74] : memref<204800x64xf32, #tpu.memory_space<hbm>> -> memref<800x64xf32, #tpu.memory_space<hbm>>
        %dma_wait3A_76 = arith.constant 0 : i32
        %dma_wait3A_77 = tpu.memref_slice %arg4[%add3A_70, %dma_wait3A_76] : memref<204800x64xf32, #tpu.memory_space<hbm>> -> memref<800x64xf32, #tpu.memory_space<hbm>>
        tpu.wait_dma2 semaphore(%run_scoped3A : memref<!tpu.dma_semaphore, #tpu.memory_space<semaphore_mem>>) src(%arg6 : memref<800x64xf32, #tpu.memory_space<vmem>>) dst(%dma_wait3A_77 : memref<800x64xf32, #tpu.memory_space<hbm>>)
        tpu.yield
      }) : () -> ()
    }
    %scan3A_7 = arith.constant 8 : i32
    return
  }
}

</mosaic_0001>

<sc_bundles>
// kernel: kernel.3.cloned.1.call-start
scs
__scs_entry_jumppad:
0x0: {  	(pc) =	sbr.rel $0x88, $3  }
0x1: {  	(tag) =	ssettag $0x0;
	lr =	simm.s32 $0x1  }
0x2: {  	[smem:$0x3F9F] =	sst lr;
	_ =	strace $0xD0000000  }
0x3: {  	_ = 	snop  }
0x4: {  	_ = 	snop  }
0x5: {  	_ = 	snop  }
0x6: {  	_ = 	snop  }
0x7: {  	_ = 	snop  }
__scs_overlays_trampoline_lowered:
0x8: {  	[smem:$0x3FAE] =	sst s0  }
0x9: {  	[smem:$0x3FAF] =	sst s1  }
0xa: {  	[smem:$0x3FB0] =	sst s2  }
0xb: {  	[smem:$0x3FB1] =	sst s3  }
0xc: {  	[smem:$0x3FB2] =	sst s4  }
0xd: {  	[smem:$0x3FB3] =	sst s5  }
0xe: {  	[smem:$0x3FB4] =	sst s6  }
0xf: {  	[smem:$0x3FB5] =	sst s7  }
0x10: {  	[smem:$0x3FB6] =	sst s8  }
0x11: {  	[smem:$0x3FB7] =	sst s9;
	s0 =	simm.s32 @!p0 $0x0  }
0x12: {  	s1 =	sld [smem:$0x3F9D];
	s0 =	simm.s32 @p0 $0x1  }
0x13: {  	[smem:$0x3FB8] =	sst s0;
	s0 =	simm.s32 @!p1 $0x0  }
0x14: {  	s2 =	sld [smem:$0x3F9C];
	s0 =	simm.s32 @p1 $0x1  }
0x15: {  	[smem:$0x3FB9] =	sst s0;
	s0 =	simm.s32 @!p2 $0x0  }
0x16: {  	s3 =	sld [smem:$0x3FDB];
	s0 =	simm.s32 @p2 $0x1  }
0x17: {  	s4 =	simm.s32 $0x1BF5;
	[smem:$0x3FBB] =	sst s0  }
0x18: {  	s0 =	sld [smem:$0x3F9E];
	_ =	swait.ge [sflag:s4], $0x0  }
0x19: {  	s7 =	sld [smem:$0x3F9F]  }
0x1a: {  	s8 =	sadd.s32 $0xFFFFE003, lr  }
0x1b: {  	s9 =	sadd.s32 $0xFFFFFEF7, lr;
	s5 =	simm.s32 $0xFFFFFFFF;
	p2 =	slt.u32 s8, $0xFFFFF086  }
0x1c: {  	p1 =	slt.u32 s9, $0xF7A;
	s5 =	simm.s32 @!p2 $0x0  }
0x1d: {  	s5 =	simm.s32 @p1 $0x1;
	p0 =	seq.s32 s7, s2  }
0x1e: {  	s7 =	smul.u32 @!p0 $0xF7A, s2;
	p2 =	seq.s32 @!p0 s5, $0x0  }
0x1f: {  	s9 =	smul.u32 $0xF7A, s1;
	s8 =	simm.s32 @!p0 $0x1BF5;
	p2 =	por !p2, p0  }
0x20: {  	[sflag:s8] =	ssyncset.s32 @!p0 $0xFFFFF086;
	s6 =	sadd.s32 @!p0 s3, s7;
	s7 =	simm.s32 @!p0 $0x108  }
0x21: {  	s3 =	sadd.s32 s3, s9;
	s6 =	sadd.s32 @!p0 $0x88, s6;
	s7 =	simm.s32 @p2 $0x1082  }
0x22: {  	[simem:s7], [sflag:s8] =	dma.local @!p0 [hbm:s6], $0xF7A  }
0x23: {  	s9 =	sor.u32 $0xD0000000, s2;
	s6 =	simm.s32 $0x108;
	_ =	swait.ge @!p0 [sflag:s8], $0x0  }
0x24: {  	s3 =	sadd.s32 $0x88, s3;
	s6 =	simm.s32 @!p1 $0x1082;
	[sflag:s4] =	ssyncset.s32 $0xFFFFF086  }
0x25: {  	[simem:s6], [sflag:s4] =	dma.local [hbm:s3], $0xF7A  }
0x26: {  	[smem:$0x3F9F] =	sst s1;
	(tag) =	ssettag s2;
	_ =	strace s9  }
0x27: {  	s1 =	sld [smem:$0x3FAF]  }
0x28: {  	s2 =	sld [smem:$0x3FB0]  }
0x29: {  	s4 =	sld [smem:$0x3FB2]  }
0x2a: {  	p0 =	seq.s32 s5, $0x0;
	s5 =	sld [smem:$0x3FB3]  }
0x2b: {  	s6 =	sld [smem:$0x3FB4]  }
0x2c: {  	s7 =	sld [smem:$0x3FB5]  }
0x2d: {  	s3 =	simm.s32 $0x108;
	s8 =	sld [smem:$0x3FB6]  }
0x2e: {  	s3 =	simm.s32 @!p0 $0x1082;
	s9 =	sld [smem:$0x3FB7]  }
0x2f: {  	lr =	sadd.s32 s0, s3;
	s0 =	sld [smem:$0x3FAE]  }
0x30: {  	s3 =	sld [smem:$0x3FB1]  }
0x31: {  	[smem:$0x3FBA] =	sst s10  }
0x32: {  	s10 =	sld [smem:$0x3FB8];
	_ =	sdelay $0x3  }
0x33: {  	p0 =	seq.s32 s10, $0x1;
	s10 =	sld [smem:$0x3FBA];
	_ =	sdelay $0x3  }
0x34: {  	[smem:$0x3FBA] =	sst s10  }
0x35: {  	s10 =	sld [smem:$0x3FB9];
	_ =	sdelay $0x3  }
0x36: {  	p1 =	seq.s32 s10, $0x1;
	s10 =	sld [smem:$0x3FBA];
	_ =	sdelay $0x3  }
0x37: {  	[smem:$0x3FBA] =	sst s10  }
0x38: {  	s10 =	sld [smem:$0x3FBB]  }
0x39: {  	_ = 	snop;
	(pc) =	sbr.ind lr, $3  }
0x3a: {  	_ = 	snop  }
0x3b: {  	_ = 	snop  }
0x3c: {  	p2 =	seq.s32 s10, $0x1;
	s10 =	sld [smem:$0x3FBA]  }
0x3d: {  	_ =	shalt  }
0x3e: {  	_ =	shalt  }
0x3f: {  	_ =	shalt  }
0x40: {  	_ =	shalt  }
0x41: {  	_ =	shalt  }
0x42: {  	_ =	shalt  }
0x43: {  	_ =	shalt  }
0x44: {  	_ =	shalt  }
0x45: {  	_ =	shalt  }
0x46: {  	_ =	shalt  }
0x47: {  	_ =	shalt  }
0x48: {  	_ =	shalt  }
0x49: {  	_ =	shalt  }
0x4a: {  	_ =	shalt  }
0x4b: {  	_ =	shalt  }
0x4c: {  	_ =	shalt  }
0x4d: {  	_ =	shalt  }
0x4e: {  	_ =	shalt  }
0x4f: {  	_ =	shalt  }
0x50: {  	_ =	shalt  }
0x51: {  	_ =	shalt  }
0x52: {  	_ =	shalt  }
0x53: {  	_ =	shalt  }
0x54: {  	_ =	shalt  }
0x55: {  	_ =	shalt  }
0x56: {  	_ =	shalt  }
0x57: {  	_ =	shalt  }
0x58: {  	_ =	shalt  }
0x59: {  	_ =	shalt  }
0x5a: {  	_ =	shalt  }
0x5b: {  	_ =	shalt  }
0x5c: {  	_ =	shalt  }
0x5d: {  	_ =	shalt  }
0x5e: {  	_ =	shalt  }
0x5f: {  	_ =	shalt  }
0x60: {  	_ =	shalt  }
0x61: {  	_ =	shalt  }
0x62: {  	_ =	shalt  }
0x63: {  	_ =	shalt  }
0x64: {  	_ =	shalt  }
0x65: {  	_ =	shalt  }
0x66: {  	_ =	shalt  }
0x67: {  	_ =	shalt  }
0x68: {  	_ =	shalt  }
0x69: {  	_ =	shalt  }
0x6a: {  	_ =	shalt  }
0x6b: {  	_ =	shalt  }
0x6c: {  	_ =	shalt  }
0x6d: {  	_ =	shalt  }
0x6e: {  	_ =	shalt  }
0x6f: {  	_ =	shalt  }
0x70: {  	_ =	shalt  }
0x71: {  	_ =	shalt  }
0x72: {  	_ =	shalt  }
0x73: {  	_ =	shalt  }
0x74: {  	_ =	shalt  }
0x75: {  	_ =	shalt  }
0x76: {  	_ =	shalt  }
0x77: {  	_ =	shalt  }
0x78: {  	_ =	shalt  }
0x79: {  	_ =	shalt  }
0x7a: {  	_ =	shalt  }
0x7b: {  	_ =	shalt  }
0x7c: {  	_ =	shalt  }
0x7d: {  	_ =	shalt  }
0x7e: {  	_ =	shalt  }
0x7f: {  	_ =	shalt  }
0x80: {  	_ =	shalt  }
0x81: {  	_ =	shalt  }
0x82: {  	_ =	shalt  }
0x83: {  	_ =	shalt  }
0x84: {  	_ =	shalt  }
0x85: {  	_ =	shalt  }
0x86: {  	_ =	shalt  }
0x87: {  	_ =	shalt  }
.Lfunc_end0:
.L_simem_size_0:
called_computation.1_lowered:
.L_overlay_start_0:
0x88: {  	s2 =	sld [smem:$0x3FD9]  }
0x89: {  	s3 =	sld [smem:$0x3FFE];
	_ =	sdelay $0x1  }
0x8a: {  	s1 =	srdreg.scid  }
0x8b: {  	s0 =	sand.u32 $0x1, s1  }
0x8c: {  	s17 =	sshll.u32 s0, $0xA;
	s2 =	sadd.s32 s3, s2  }
0x8d: {  	s2 =	sadd.s32 s2, s17  }
0x8e: {  	[smem:$0x3FC6] =	sst s2  }
0x8f: {  	_ = 	snop  }
0x90: {  	s2 =	sld [smem:$0x3FD0];
	(tm) =	ssettm $0x1  }
0x91: {  	s18 =	sld [smem:$0x3FFB];
	_ =	sdelay $0x3  }
0x92: {  	_ =	strace s18  }
0x93: {  	s3 =	sld [smem:$0x3FFC];
	_ =	sdelay $0x3  }
0x94: {  	_ =	strace s3  }
0x95: {  	s3 =	sld [smem:$0x3FFD];
	_ =	sdelay $0x3  }
0x96: {  	_ =	strace s3  }
0x97: {  	_ =	strace $0x8FFFFFFF  }
0x98: {  	s19 =	sld [smem:$0x3FDB];
	_ =	sdelay $0x1  }
0x99: {  	s4 =	simm.s32 $_scs_section_size  }
0x9a: {  	s5 =	simm.s32 $_size__tile_overlayer_lowered;
	s6 =	simm.s32 $_tile_overlayer_lowered  }
0x9b: {  	s22 =	simm.s32 $0x1BFF;
	s21 =	sshll.u32 s6, $0x1;
	s3 =	sadd.s32 s4, s19  }
0x9c: {  	s7 =	simm.s32 $0x0;
	s20 =	sshll.u32 s5, $0x1;
	s5 =	sadd.s32 s21, s3  }
0x9d: {  	[timem:s7], [sflag:s22] =	dma.local [hbm:s5], s20  }
0x9e: {  	_ =	swait.ge [sflag:s22], s20  }
0x9f: {  	s4 =	ssub.s32 $0x0, s20;
	[sflag:s22] =	ssyncset.done $0x0  }
0xa0: {  	[sflag:s22] =	ssyncadd.s32 s4;
	_ =	sdelay $0x1  }
0xa1: {  	s23 =	simm.s32 $0x1B8B  }
0xa2: {  	_ =	swait.ge [sflag:s23], $0x1  }
0xa3: {  	[sflag:s23] =	ssyncset.done $0x0  }
0xa4: {  	s25 =	simm.s32 $0x1B8E;
	s24 =	sld [smem:$0x3FFE];
	[sflag:s23] =	ssyncadd.s32 $0xFFFFFFFF  }
0xa5: {  	s26 =	simm.s32 $execute0_lowered;
	[smem:$0x3FD2] =	sst s25  }
0xa6: {  	s5 =	sshll.u32 s26, $0x1;
	_ =	strace $0x80000046;
	[dreg:$0x1] =	wrdreg $0xFFFFFFFF  }
0xa7: {  	s28 =	simm.s32 $_size_execute0_lowered;
	s3 =	sadd.s32 s3, s5;
	[dreg:$0x0] =	wrdreg $0x0  }
0xa8: {  	s5 =	sshll.u32 s28, $0x1;
	[dreg:$0x2] =	wrdreg s3  }
0xa9: {  	[dreg:$0x3] =	wrdreg s5  }
0xaa: {  	[dreg:$0x4] =	wrdreg $0xC0  }
0xab: {  	_ =	task [dreg:s7], $0x5FFFF  }
0xac: {  	[dreg:$0x1] =	wrdreg $0xFFFFFFFF  }
0xad: {  	[dreg:$0x0] =	wrdreg $0x60  }
0xae: {  	[dreg:$0x2] =	wrdreg s24  }
0xaf: {  	[dreg:$0x3] =	wrdreg s2  }
0xb0: {  	[dreg:$0x4] =	wrdreg $0x9  }
0xb1: {  	_ =	task.clear_ibuf [dreg:s7], $0x5FFFF;
	_ =	strace $0x90000046  }
0xb2: {  	s29 =	simm.s32 $0x9;
	_ =	strace $0x80000048  }
0xb3: {  	_ =	swait.ge [sflag:s29], $0x1  }
0xb4: {  	[sflag:s29] =	ssyncadd.s32 $0xFFFFFFFF  }
0xb5: {  	_ =	strace $0x90000048  }
0xb6: {  	_ =	sfence  }
0xb7: {  	s30 =	sld [smem:$0x0];
	_ =	sdelay $0x2  }
0xb8: {  	s31 =	sshll.u32 s1, $0xD;
	s1 =	sshrl.u32 s1, $0x2  }
0xb9: {  	s3 =	sand.u32 $0x4000, s31;
	s1 =	sadd.s32 s1, s30  }
0xba: {  	s0 =	sor.u32 s3, s0;
	s1 =	sshll.u32 s1, $0x11  }
0xbb: {  	s0 =	sor.u32 s1, s0  }
0xbc: {  	s0 =	sadd.s32 $0x8F2B, s0  }
0xbd: {  	[sflag:s0] =	ssyncadd.remote.s32 $0x1  }
0xbe: {  	_ =	sfence.sel $0xFFFF  }
0xbf: {  	[dreg:$0x0] =	wrdreg $0xFFFFFFFF;
	(pc) =	sbr.abs _section_cstart, $3  }
0xc0: {  	[dreg:$0x1] =	wrdreg $0xFFFFFFFF  }
0xc1: {  	_ =	task.clear_ibuf [dreg:s7], $0x2FFFF;
	_ =	strace $0x9FFFFFFF  }
0xc2: {  	(tm) =	ssettm $0x7FFFFFFF  }
0xc3: {  	_ =	shalt  }
tec
execute0_lowered:
.L_overlay_start_1:
0x0: {  	(tag) =	ssettag $0x1  }
0x1: {  	s5 =	rddreg [dreg:$0x0];
	s1 =	srdreg.scid  }
0x2: {  	s0 =	stileid.u32;
	s6 =	rddreg [dreg:$0x1];
	s2 =	simm.s32 $0x0  }
0x3: {  	s9 =	simm.s32 $0x1;
	s10 =	simm.s32 $0x2;
	s11 =	simm.s32 $0x3  }
0x4: {  	s12 =	simm.s32 $0x4;
	s3 =	sand.u32 $0x1, s1;
	s4 =	sshll.u32 s0, $0x1  }
0x5: {  	[smem:$0x7FF] =	sst s2;
	s4 =	sor.u32 s3, s4;
	s7 =	ssub.s32 $0x2, s3  }
0x6: {  	s29 =	sadd.s32 $0xF42C00, s5;
	s28 =	smul.u32 $0x1900, s4;
	s8 =	sshrl.u32 s7, $0x1  }
0x7: {  	s1 =	simm.s32 $0x0;
	_ =	strace $0x80000047;
	s7 =	ssub.s32 s7, s8  }
0x8: {  	[dreg:$0x3] =	wrdreg s29;
	s30 =	sshrl.u32 s28, $0x3;
	s31 =	smax.u32 s7, $0x1  }
0x9: {  	s4 =	sadd.s32 $0x800, s5;
	s0 =	sadd.s32 s6, s30;
	[dreg:$0x5] =	wrdreg s31  }
0xa: {  	s8 =	simm.s32 $0x5;
	s5 =	smov.u32 s28;
	[dreg:$0x4] =	wrdreg s0  }
.LBB2_1:
0xb: {  	[dreg:$0x6] =	wrdreg s1  }
0xc: {  	s0 =	rddreg [dreg:$0x4]  }
0xd: {  	[tilespmem:s2], [sflag:$0x5] =	stream.linear.gather [hbm4b:s0+s2], $0x1900, $0x38;
	[tilespmem:$0x1A900] =	vst v63  }
0xe: {  	_ =	swait.ge [sflag:s8], $0x1900  }
0xf: {  	[sflag:s8] =	ssyncset.done $0x0  }
0x10: {  	s15 =	simm.s32 $0x0;
	s16 =	simm.s32 $0x0;
	[sflag:s8] =	ssyncadd.s32 $0xFFFFE700  }
.LBB2_2:
0x11: {  	v0 =	vld [tilespmem:s15+$0x0];
	_ =	sdelay $0x4  }
0x12: {  	v0 =	vshll.u32 v0, $0x4  }
0x13: {  	(v2sf) =	vpush v0, $0x0  }
0x14: {  	(v2sf) =	vpush v0, $0x1  }
0x15: {  	(v2sf) =	vpush v0, $0x2;
	_ =	sdelay $0x1  }
0x16: {  	(v2sf) =	vpush v0, $0x4;
	_ =	sdelay $0x1  }
0x17: {  	(v2sf) =	vpush v0, $0x3  }
0x18: {  	s17 =	smul.u32 $0x320, s16;
	(v2sf) =	vpush v0, $0x5  }
0x19: {  	s19 =	simm.s32 $0x2000;
	s18 =	simm.s32 $0x0;
	s20 =	smov.u32 s15;
	(v2sf) =	vpush v0, $0x6  }
.LBB2_3:
0x1a: {  	p0 =	sne.s32 s19, $0x62000  }
0x1b: {  	s31 =	sadd.s32 $0x1980, s18;
	s24 =	sadd.s32 $0x1E80, s18;
	s21 =	smov.u32 s19  }
0x1c: {  	s19 =	sadd.s32 $0x2000, s19;
	s28 =	sadd.s32 $0x1C80, s18;
	s22 =	sadd.s32 $0x1F00, s18;
	(v2sf) =	vpush v0, $0x7  }
0x1d: {  	s30 =	sadd.s32 $0x1B80, s18;
	s26 =	sadd.s32 $0x1D00, s18;
	s23 =	sadd.s32 $0x1F80, s18  }
0x1e: {  	s1 =	sadd.s32 $0x1900, s18;
	s0 =	sadd.s32 $0x1B00, s18;
	(v2sf) =	vpush v0, $0x8  }
0x1f: {  	s6 =	sadd.s32 $0x1C00, s18;
	s20 =	sadd.s32 $0x10, s20  }
0x20: {  	s7 =	sadd.s32 $0x1A00, s18;
	s25 =	sadd.s32 $0x1E00, s18;
	s29 =	spop (v2sf);
	(v2sf) =	vpush v0, $0x9  }
0x21: {  	s14 =	sand.u32 $0x1FFFFFF0, s29;
	s29 =	sadd.s32 $0x1D80, s18;
	s13 =	spop (v2sf)  }
0x22: {  	s14 =	sadd.s32 s4, s14;
	s13 =	sand.u32 $0x1FFFFFF0, s13;
	s3 =	spop (v2sf);
	(v2sf) =	vpush v0, $0xA  }
0x23: {  	[tilespmem:s1], [sflag:$0x1] =	stream.linear.gather [hbm4b:s14+s2], $0x80, $0x38;
	[tilespmem:$0x1A900] =	vst v63  }
0x24: {  	s1 =	sadd.s32 s4, s13;
	s13 =	sadd.s32 $0x1A80, s18;
	s14 =	spop (v2sf);
	(v2sf) =	vpush v0, $0xB  }
0x25: {  	[tilespmem:s31], [sflag:$0x2] =	stream.linear.gather [hbm4b:s1+s2], $0x80, $0x38;
	[tilespmem:$0x1A900] =	vst v63  }
0x26: {  	s1 =	sand.u32 $0x1FFFFFF0, s3;
	s3 =	sand.u32 $0x1FFFFFF0, s14;
	s14 =	spop (v2sf);
	(v2sf) =	vpush v0, $0xC  }
0x27: {  	s1 =	sadd.s32 s4, s1;
	s14 =	sand.u32 $0x1FFFFFF0, s14;
	s31 =	spop (v2sf)  }
0x28: {  	[tilespmem:s7], [sflag:$0x3] =	stream.linear.gather [hbm4b:s1+s2], $0x80, $0x38;
	(v2sf) =	vpush v0, $0xD;
	[tilespmem:$0x1A900] =	vst v63  }
0x29: {  	s1 =	sadd.s32 s4, s14;
	s7 =	sand.u32 $0x1FFFFFF0, s31;
	s14 =	spop (v2sf)  }
0x2a: {  	[tilespmem:s13], [sflag:$0x4] =	stream.linear.gather [hbm4b:s1+s2], $0x80, $0x38;
	(v2sf) =	vpush v0, $0xE;
	[tilespmem:$0x1A900] =	vst v63  }
0x2b: {  	s1 =	sadd.s32 s4, s3;
	s3 =	sand.u32 $0x1FFFFFF0, s14;
	s13 =	spop (v2sf)  }
0x2c: {  	[tilespmem:s0], [sflag:$0x1] =	stream.linear.gather [hbm4b:s1+s2], $0x80, $0x38;
	(v2sf) =	vpush v0, $0xF;
	[tilespmem:$0x1A900] =	vst v63  }
0x2d: {  	s0 =	sadd.s32 s4, s7;
	s1 =	sand.u32 $0x1FFFFFF0, s13;
	s7 =	spop (v2sf)  }
0x2e: {  	[tilespmem:s30], [sflag:$0x2] =	stream.linear.gather [hbm4b:s0+s2], $0x80, $0x38;
	[tilespmem:$0x1A900] =	vst v63  }
0x2f: {  	s0 =	sadd.s32 s4, s3;
	s3 =	sand.u32 $0x1FFFFFF0, s7;
	s7 =	spop (v2sf)  }
0x30: {  	[tilespmem:s6], [sflag:$0x3] =	stream.linear.gather [hbm4b:s0+s2], $0x80, $0x38;
	[tilespmem:$0x1A900] =	vst v63  }
0x31: {  	s0 =	sadd.s32 s4, s1;
	s1 =	sand.u32 $0x1FFFFFF0, s7;
	s6 =	spop (v2sf)  }
0x32: {  	[tilespmem:s28], [sflag:$0x4] =	stream.linear.gather [hbm4b:s0+s2], $0x80, $0x38;
	[tilespmem:$0x1A900] =	vst v63  }
0x33: {  	s0 =	sadd.s32 s4, s3;
	s3 =	sand.u32 $0x1FFFFFF0, s6;
	s6 =	spop (v2sf)  }
0x34: {  	[tilespmem:s26], [sflag:$0x1] =	stream.linear.gather [hbm4b:s0+s2], $0x80, $0x38;
	[tilespmem:$0x1A900] =	vst v63  }
0x35: {  	s0 =	sadd.s32 s4, s1;
	s1 =	sand.u32 $0x1FFFFFF0, s6;
	s6 =	spop (v2sf)  }
0x36: {  	[tilespmem:s29], [sflag:$0x2] =	stream.linear.gather [hbm4b:s0+s2], $0x80, $0x38;
	[tilespmem:$0x1A900] =	vst v63  }
0x37: {  	s0 =	sadd.s32 s4, s3;
	s3 =	sand.u32 $0x1FFFFFF0, s6;
	s6 =	spop (v2sf)  }
0x38: {  	[tilespmem:s25], [sflag:$0x3] =	stream.linear.gather [hbm4b:s0+s2], $0x80, $0x38;
	[tilespmem:$0x1A900] =	vst v63  }
0x39: {  	s0 =	sadd.s32 s4, s1;
	s1 =	sand.u32 $0x1FFFFFF0, s6;
	s6 =	spop (v2sf)  }
0x3a: {  	[tilespmem:s24], [sflag:$0x4] =	stream.linear.gather [hbm4b:s0+s2], $0x80, $0x38;
	[tilespmem:$0x1A900] =	vst v63  }
0x3b: {  	s0 =	sadd.s32 s4, s3;
	s3 =	sand.u32 $0x1FFFFFF0, s6;
	s6 =	spop (v2sf)  }
0x3c: {  	[tilespmem:s22], [sflag:$0x1] =	stream.linear.gather [hbm4b:s0+s2], $0x80, $0x38;
	[tilespmem:$0x1A900] =	vst v63  }
0x3d: {  	s0 =	sadd.s32 s4, s1;
	s1 =	sand.u32 $0x1FFFFFF0, s6  }
0x3e: {  	[tilespmem:s23], [sflag:$0x2] =	stream.linear.gather [hbm4b:s0+s2], $0x80, $0x38;
	[tilespmem:$0x1A900] =	vst v63  }
0x3f: {  	s3 =	sadd.s32 s4, s3;
	s0 =	sadd.s32 $0x2000, s18  }
0x40: {  	[tilespmem:s0], [sflag:$0x3] =	stream.linear.gather [hbm4b:s3+s2], $0x80, $0x38;
	[tilespmem:$0x1A900] =	vst v63  }
0x41: {  	s1 =	sadd.s32 s4, s1;
	s0 =	sadd.s32 $0x2080, s18  }
0x42: {  	[tilespmem:s0], [sflag:$0x4] =	stream.linear.gather [hbm4b:s1+s2], $0x80, $0x38;
	[tilespmem:$0x1A900] =	vst v63  }
0x43: {  	v0 =	vld [tilespmem:s20+$0x0];
	_ =	sdelay $0x4  }
0x44: {  	v0 =	vshll.u32 v0, $0x4  }
0x45: {  	(v2sf) =	vpush v0, $0x0  }
0x46: {  	(v2sf) =	vpush v0, $0x1  }
0x47: {  	(v2sf) =	vpush v0, $0x2;
	_ =	sdelay $0x1  }
0x48: {  	(v2sf) =	vpush v0, $0x4  }
.Ltmp0:
0x49: {  	(pc) =	sbr.rel @p0 .LBB2_3-.Ltmp0, $3  }
0x4a: {  	(v2sf) =	vpush v0, $0x3  }
0x4b: {  	(v2sf) =	vpush v0, $0x5;
	_ =	sdelay $0x1  }
0x4c: {  	s18 =	sshra.s32 s21, $0x2;
	(v2sf) =	vpush v0, $0x6  }
0x4d: {  	_ =	sdelay $0x1  }
0x4e: {  	s0 =	sadd.s32 $0x1980, s18;
	s21 =	sadd.s32 $0x1E80, s18  }
0x4f: {  	s1 =	sadd.s32 $0x1C80, s18;
	s19 =	sadd.s32 $0x1F00, s18;
	(v2sf) =	vpush v0, $0x7;
	s3 =	sadd.s32 $0x1B80, s18  }
0x50: {  	s6 =	sadd.s32 $0x1D00, s18;
	s20 =	sadd.s32 $0x1F80, s18;
	s7 =	sadd.s32 $0x1900, s18  }
0x51: {  	s13 =	sadd.s32 $0x1B00, s18;
	s14 =	sadd.s32 $0x1C00, s18;
	(v2sf) =	vpush v0, $0x8;
	s22 =	spop (v2sf)  }
0x52: {  	s23 =	sadd.s32 $0x1A00, s18;
	s22 =	sand.u32 $0x1FFFFFF0, s22;
	s24 =	spop (v2sf)  }
0x53: {  	(v2sf) =	vpush v0, $0x9;
	s22 =	sadd.s32 s4, s22;
	s24 =	sand.u32 $0x1FFFFFF0, s24;
	s25 =	spop (v2sf)  }
0x54: {  	[tilespmem:s7], [sflag:$0x1] =	stream.linear.gather [hbm4b:s22+s2], $0x80, $0x38;
	[tilespmem:$0x1A900] =	vst v63  }
0x55: {  	(v2sf) =	vpush v0, $0xA;
	s26 =	sadd.s32 s4, s24;
	s29 =	sand.u32 $0x1FFFFFF0, s25;
	s28 =	spop (v2sf)  }
0x56: {  	[tilespmem:s0], [sflag:$0x2] =	stream.linear.gather [hbm4b:s26+s2], $0x80, $0x38;
	[tilespmem:$0x1A900] =	vst v63  }
0x57: {  	s7 =	sadd.s32 $0x1E00, s18;
	(v2sf) =	vpush v0, $0xB;
	s22 =	sadd.s32 s4, s29;
	s30 =	spop (v2sf)  }
0x58: {  	s0 =	sadd.s32 $0x1D80, s18;
	s26 =	sadd.s32 $0x1A80, s18;
	s25 =	sand.u32 $0x1FFFFFF0, s30  }
0x59: {  	(v2sf) =	vpush v0, $0xC;
	[tilespmem:s23], [sflag:$0x3] =	stream.linear.gather [hbm4b:s22+s2], $0x80, $0x38;
	[tilespmem:$0x1A900] =	vst v63  }
0x5a: {  	s31 =	sand.u32 $0x1FFFFFF0, s28;
	s28 =	spop (v2sf);
	s29 =	sadd.s32 s4, s25  }
0x5b: {  	(v2sf) =	vpush v0, $0xD;
	[tilespmem:s26], [sflag:$0x4] =	stream.linear.gather [hbm4b:s29+s2], $0x80, $0x38;
	[tilespmem:$0x1A900] =	vst v63  }
0x5c: {  	s22 =	sadd.s32 s4, s31;
	s23 =	sand.u32 $0x1FFFFFF0, s28;
	s30 =	spop (v2sf)  }
0x5d: {  	(v2sf) =	vpush v0, $0xE;
	[tilespmem:s13], [sflag:$0x1] =	stream.linear.gather [hbm4b:s22+s2], $0x80, $0x38;
	[tilespmem:$0x1A900] =	vst v63  }
0x5e: {  	s23 =	sadd.s32 s4, s23;
	s31 =	sand.u32 $0x1FFFFFF0, s30;
	s24 =	spop (v2sf)  }
0x5f: {  	(v2sf) =	vpush v0, $0xF;
	[tilespmem:s3], [sflag:$0x2] =	stream.linear.gather [hbm4b:s23+s2], $0x80, $0x38;
	[tilespmem:$0x1A900] =	vst v63  }
0x60: {  	s25 =	sand.u32 $0x1FFFFFF0, s24;
	s26 =	spop (v2sf);
	s13 =	sadd.s32 s4, s31  }
0x61: {  	[tilespmem:s14], [sflag:$0x3] =	stream.linear.gather [hbm4b:s13+s2], $0x80, $0x38;
	[tilespmem:$0x1A900] =	vst v63  }
0x62: {  	s28 =	sand.u32 $0x1FFFFFF0, s26;
	s3 =	sadd.s32 s4, s25;
	s29 =	spop (v2sf)  }
0x63: {  	[tilespmem:s1], [sflag:$0x4] =	stream.linear.gather [hbm4b:s3+s2], $0x80, $0x38;
	[tilespmem:$0x1A900] =	vst v63  }
0x64: {  	s13 =	sadd.s32 s4, s28;
	s30 =	sand.u32 $0x1FFFFFF0, s29;
	s31 =	spop (v2sf)  }
0x65: {  	[tilespmem:s6], [sflag:$0x1] =	stream.linear.gather [hbm4b:s13+s2], $0x80, $0x38;
	[tilespmem:$0x1A900] =	vst v63  }
0x66: {  	s3 =	sand.u32 $0x1FFFFFF0, s31;
	s1 =	sadd.s32 s4, s30;
	s13 =	spop (v2sf)  }
0x67: {  	[tilespmem:s0], [sflag:$0x2] =	stream.linear.gather [hbm4b:s1+s2], $0x80, $0x38;
	[tilespmem:$0x1A900] =	vst v63  }
0x68: {  	s3 =	sadd.s32 s4, s3;
	s14 =	sand.u32 $0x1FFFFFF0, s13;
	s22 =	spop (v2sf)  }
0x69: {  	[tilespmem:s7], [sflag:$0x3] =	stream.linear.gather [hbm4b:s3+s2], $0x80, $0x38;
	[tilespmem:$0x1A900] =	vst v63  }
0x6a: {  	s0 =	sadd.s32 s4, s14;
	s1 =	sand.u32 $0x1FFFFFF0, s22;
	s23 =	spop (v2sf)  }
0x6b: {  	[tilespmem:s21], [sflag:$0x4] =	stream.linear.gather [hbm4b:s0+s2], $0x80, $0x38;
	[tilespmem:$0x1A900] =	vst v63  }
0x6c: {  	s24 =	sand.u32 $0x1FFFFFF0, s23;
	s1 =	sadd.s32 s4, s1;
	s25 =	spop (v2sf)  }
0x6d: {  	[tilespmem:s19], [sflag:$0x1] =	stream.linear.gather [hbm4b:s1+s2], $0x80, $0x38;
	[tilespmem:$0x1A900] =	vst v63  }
0x6e: {  	s26 =	sand.u32 $0x1FFFFFF0, s25;
	s28 =	spop (v2sf);
	s0 =	sadd.s32 s4, s24  }
0x6f: {  	[tilespmem:s20], [sflag:$0x2] =	stream.linear.gather [hbm4b:s0+s2], $0x80, $0x38;
	[tilespmem:$0x1A900] =	vst v63  }
0x70: {  	s30 =	sadd.s32 $0x2000, s18;
	s29 =	sand.u32 $0x1FFFFFF0, s28;
	s1 =	sadd.s32 s4, s26  }
0x71: {  	[tilespmem:s30], [sflag:$0x3] =	stream.linear.gather [hbm4b:s1+s2], $0x80, $0x38;
	[tilespmem:$0x1A900] =	vst v63  }
0x72: {  	s31 =	sadd.s32 $0x2080, s18;
	s0 =	sadd.s32 s4, s29  }
0x73: {  	[tilespmem:s31], [sflag:$0x4] =	stream.linear.gather [hbm4b:s0+s2], $0x80, $0x38;
	[tilespmem:$0x1A900] =	vst v63  }
0x74: {  	_ =	swait.ge [sflag:s9], $0x6400  }
0x75: {  	[sflag:s9] =	ssyncset.done $0x0  }
0x76: {  	[sflag:s9] =	ssyncadd.s32 $0xFFFF9C00  }
0x77: {  	_ =	swait.ge [sflag:s10], $0x6400  }
0x78: {  	[sflag:s10] =	ssyncset.done $0x0  }
0x79: {  	[sflag:s10] =	ssyncadd.s32 $0xFFFF9C00  }
0x7a: {  	_ =	swait.ge [sflag:s11], $0x6400  }
0x7b: {  	[sflag:s11] =	ssyncset.done $0x0  }
0x7c: {  	[sflag:s11] =	ssyncadd.s32 $0xFFFF9C00  }
0x7d: {  	_ =	swait.ge [sflag:s12], $0x6400  }
0x7e: {  	[sflag:s12] =	ssyncset.done $0x0  }
0x7f: {  	s18 =	simm.s32 $0x0;
	[sflag:s12] =	ssyncadd.s32 $0xFFFF9C00  }
0x80: {  	v0 =	vld [tilespmem:s18+$0x1900]  }
0x81: {  	v2 =	vld [tilespmem:s18+$0x1910]  }
0x82: {  	s19 =	simm.s32 $0x200;
	v1 =	vld [tilespmem:s18+$0x1920]  }
.LBB2_5:
0x83: {  	p0 =	sne.s32 s19, $0x63E00;
	v3 =	vld [tilespmem:s18+$0x1930];
	_ =	sdelay $0x1  }
0x84: {  	v0 =	vmul.f32 $8.000000000e+00, v0  }
.Ltmp1:
0x85: {  	v2 =	vmul.f32 $8.000000000e+00, v2;
	(pc) =	sbr.rel @p0 .LBB2_5-.Ltmp1, $4  }
0x86: {  	s0 =	sshra.s32 s19, $0x2;
	[tilespmem:s18+$0x1900] =	vst v0;
	v1 =	vmul.f32 $8.000000000e+00, v1  }
0x87: {  	v0 =	vld [tilespmem:s0+$0x1900];
	[tilespmem:s18+$0x1910] =	vst v2;
	v3 =	vmul.f32 $8.000000000e+00, v3  }
0x88: {  	v2 =	vld [tilespmem:s0+$0x1910];
	[tilespmem:s18+$0x1920] =	vst v1  }
0x89: {  	s19 =	sadd.s32 $0x200, s19;
	v1 =	vld [tilespmem:s0+$0x1920];
	[tilespmem:s18+$0x1930] =	vst v3;
	s18 =	smov.u32 s0  }
0x8a: {  	v3 =	vld [tilespmem:s18+$0x1930];
	_ =	sdelay $0x1  }
0x8b: {  	v0 =	vmul.f32 $8.000000000e+00, v0  }
0x8c: {  	v2 =	vmul.f32 $8.000000000e+00, v2  }
0x8d: {  	[tilespmem:s18+$0x1900] =	vst v0;
	v62 =	vmul.f32 $8.000000000e+00, v1  }
0x8e: {  	s0 =	sadd.s32 s5, s17;
	s16 =	sadd.s32 $0x1, s16;
	[tilespmem:s18+$0x1910] =	vst v2;
	v63 =	vmul.f32 $8.000000000e+00, v3  }
0x8f: {  	s1 =	rddreg [dreg:$0x3];
	s0 =	sshll.u32 s0, $0x4;
	p0 =	sne.s32 s16, $0x8;
	[tilespmem:s18+$0x1920] =	vst v62  }
.Ltmp2:
0x90: {  	s31 =	simm.s32 $0x1900;
	s0 =	sadd.s32 s1, s0;
	[tilespmem:s18+$0x1930] =	vst v63;
	(pc) =	sbr.rel @p0 .LBB2_2-.Ltmp2, $4  }
0x91: {  	[hbm4b:s0+s2] =	stream.linear.scatter [tilespmem:s31], [sflag:$0x5], $0x19000, $0x38;
	[tilespmem:$0x1A900] =	vst v63  }
0x92: {  	_ =	swait.ge [sflag:s8], $0x19000  }
0x93: {  	[sflag:s8] =	ssyncset.done $0x0  }
0x94: {  	s15 =	sadd.s32 $0x320, s15;
	[sflag:s8] =	ssyncadd.s32 $0xFFFE7000  }
0x95: {  	s1 =	rddreg [dreg:$0x6]  }
0x96: {  	s0 =	rddreg [dreg:$0x5];
	s1 =	sadd.s32 $0x1, s1  }
0x97: {  	p0 =	sne.s32 s1, s0  }
.Ltmp3:
0x98: {  	_ = 	snop;
	(pc) =	sbr.rel @p0 .LBB2_1-.Ltmp3, $1  }
0x99: {  	_ =	sdelay $0x3  }
0x9a: {  	_ =	sfence.sel $0x180000  }
0x9b: {  	[bflag:$0x0] =	sbarrier.arrive $0xFFFF  }
0x9c: {  	_ =	strace $0x90000047  }
0x9d: {  	s0 =	stileid.u32;
	[bflag:$0x2] =	sbarrier.arrive $0xFFFF  }
0x9e: {  	p0 =	sne.s32 s0, $0x0;
	s0 =	rddreg [dreg:$0x2]  }
0x9f: {  	s0 =	sadd.s32 @!p0 $0x100000, s0  }
0xa0: {  	[sflag:s0] =	ssyncadd.tile.s32 @!p0 $0x1;
	_ =	shalt  }
.Lfunc_end2:
_tile_overlayer_lowered:
.L_overlay_start_2:
0xa1: {  	(tag) =	ssettag $0x2  }
0xa2: {  	s0 =	rddreg [dreg:$0x0];
	s2 =	stileid.u32  }
0xa3: {  	s1 =	rddreg [dreg:$0x1];
	p0 =	sne.s32 s2, $0x0  }
0xa4: {  	s3 =	rddreg [dreg:$0x2];
	[bflag:$0x3] =	sbarrier.arrive $0xFFFF;
	s2 =	simm.s32 @!p0 $0x1C05  }
0xa5: {  	[timem:s3], [sflag:s2] =	dma.local @!p0 [hbm:s0], s1  }
0xa6: {  	s0 =	simm.s32 @!p0 $0x5  }
0xa7: {  	_ =	swait.ge @!p0 [sflag:s0], s1  }
0xa8: {  	s1 =	ssub.s32 @!p0 $0x0, s1;
	[sflag:s0] =	ssyncset.done @!p0 $0x0  }
0xa9: {  	[sflag:s0] =	ssyncadd.s32 @!p0 s1  }
0xaa: {  	[bflag:$0x3] =	sbarrier.arrive $0xFFFF  }
0xab: {  	_ =	shalt  }

// kernel: sparse-core-data-format-call.cloned.1.call-start
scs
called_computation_lowered:
.L_overlay_start_0:
0x0: {  	s2 =	sld [smem:$0x3FD9]  }
0x1: {  	s3 =	sld [smem:$0x3FFE];
	_ =	sdelay $0x1  }
0x2: {  	s1 =	srdreg.scid  }
0x3: {  	s0 =	sand.u32 $0x1, s1  }
0x4: {  	s18 =	sshll.u32 s0, $0xA;
	s2 =	sadd.s32 s3, s2  }
0x5: {  	s2 =	sadd.s32 s2, s18  }
0x6: {  	[smem:$0x3FC6] =	sst s2  }
0x7: {  	_ = 	snop  }
0x8: {  	s2 =	sld [smem:$0x3FD0];
	(tm) =	ssettm $0x1  }
0x9: {  	s19 =	sld [smem:$0x3FFB];
	_ =	sdelay $0x3  }
0xa: {  	_ =	strace s19  }
0xb: {  	s3 =	sld [smem:$0x3FFC];
	_ =	sdelay $0x3  }
0xc: {  	_ =	strace s3  }
0xd: {  	s3 =	sld [smem:$0x3FFD];
	_ =	sdelay $0x3  }
0xe: {  	_ =	strace s3  }
0xf: {  	_ =	strace $0x8FFFFFFF  }
0x10: {  	s20 =	sld [smem:$0x3FDB];
	_ =	sdelay $0x1  }
0x11: {  	s4 =	simm.s32 $_scs_section_size  }
0x12: {  	s5 =	simm.s32 $_size__tile_overlayer_lowered;
	s6 =	simm.s32 $_tile_overlayer_lowered  }
0x13: {  	s23 =	simm.s32 $0x1BFF;
	s22 =	sshll.u32 s6, $0x1;
	s3 =	sadd.s32 s4, s20  }
0x14: {  	s7 =	simm.s32 $0x0;
	s21 =	sshll.u32 s5, $0x1;
	s5 =	sadd.s32 s22, s3  }
0x15: {  	[timem:s7], [sflag:s23] =	dma.local [hbm:s5], s21  }
0x16: {  	_ =	swait.ge [sflag:s23], s21  }
0x17: {  	s4 =	ssub.s32 $0x0, s21;
	[sflag:s23] =	ssyncset.done $0x0  }
0x18: {  	[sflag:s23] =	ssyncadd.s32 s4;
	_ =	sdelay $0x1  }
0x19: {  	s24 =	simm.s32 $0x1B8B  }
0x1a: {  	_ =	swait.ge [sflag:s24], $0x1  }
0x1b: {  	[sflag:s24] =	ssyncset.done $0x0  }
0x1c: {  	s26 =	simm.s32 $0x1B8E;
	s25 =	sld [smem:$0x3FFE];
	[sflag:s24] =	ssyncadd.s32 $0xFFFFFFFF  }
0x1d: {  	s27 =	simm.s32 $execute0_lowered;
	[smem:$0x3FD2] =	sst s26  }
0x1e: {  	s5 =	sshll.u32 s27, $0x1;
	_ =	strace $0x80000049;
	[dreg:$0x1] =	wrdreg $0xFFFFFFFF  }
0x1f: {  	s28 =	simm.s32 $_size_execute0_lowered;
	s3 =	sadd.s32 s3, s5;
	[dreg:$0x0] =	wrdreg $0x0  }
0x20: {  	s5 =	sshll.u32 s28, $0x1;
	[dreg:$0x2] =	wrdreg s3  }
0x21: {  	[dreg:$0x3] =	wrdreg s5  }
0x22: {  	[dreg:$0x4] =	wrdreg $0xC0  }
0x23: {  	_ =	task [dreg:s7], $0x5FFFF  }
0x24: {  	[dreg:$0x1] =	wrdreg $0xFFFFFFFF  }
0x25: {  	[dreg:$0x0] =	wrdreg $0x60  }
0x26: {  	[dreg:$0x2] =	wrdreg s25  }
0x27: {  	[dreg:$0x3] =	wrdreg s2  }
0x28: {  	[dreg:$0x4] =	wrdreg $0x9  }
0x29: {  	_ =	task.clear_ibuf [dreg:s7], $0x5FFFF;
	_ =	strace $0x90000049  }
0x2a: {  	s29 =	simm.s32 $0x9;
	_ =	strace $0x8000004B  }
0x2b: {  	_ =	swait.ge [sflag:s29], $0x1  }
0x2c: {  	[sflag:s29] =	ssyncadd.s32 $0xFFFFFFFF  }
0x2d: {  	_ =	strace $0x9000004B  }
0x2e: {  	_ =	sfence  }
0x2f: {  	s30 =	sld [smem:$0x0];
	_ =	sdelay $0x2  }
0x30: {  	s31 =	sshll.u32 s1, $0xD;
	s1 =	sshrl.u32 s1, $0x2  }
0x31: {  	s3 =	sand.u32 $0x4000, s31;
	s1 =	sadd.s32 s1, s30  }
0x32: {  	s0 =	sor.u32 s3, s0;
	s1 =	sshll.u32 s1, $0x11  }
0x33: {  	s0 =	sor.u32 s1, s0  }
0x34: {  	s0 =	sadd.s32 $0x8F2B, s0  }
0x35: {  	[sflag:s0] =	ssyncadd.remote.s32 $0x1  }
0x36: {  	_ =	sfence.sel $0xFFFF  }
0x37: {  	[dreg:$0x0] =	wrdreg $0xFFFFFFFF;
	(pc) =	sbr.abs _section_cstart, $3  }
0x38: {  	[dreg:$0x1] =	wrdreg $0xFFFFFFFF  }
0x39: {  	_ =	task.clear_ibuf [dreg:s7], $0x2FFFF;
	_ =	strace $0x9FFFFFFF  }
0x3a: {  	(tm) =	ssettm $0x7FFFFFFF  }
0x3b: {  	_ =	shalt  }
tec
execute0_lowered:
.L_overlay_start_1:
0x0: {  	(tag) =	ssettag $0x1  }
0x1: {  	s0 =	srdreg.scid  }
0x2: {  	s1 =	sshll.u32 s0, $0x4  }
0x3: {  	s0 =	stileid.u32;
	s1 =	sand.u32 $0x10, s1  }
0x4: {  	s1 =	sor.u32 s0, s1  }
0x5: {  	s6 =	rddreg [dreg:$0x0];
	s4 =	simm.s32 $0x1;
	s2 =	sshll.u32 s1, $0x7  }
0x6: {  	s7 =	simm.s32 $0x2;
	s12 =	simm.s32 $0x0;
	s1 =	ssub.s32 $0x1000, s2  }
0x7: {  	s8 =	simm.s32 $0x8000;
	s13 =	simm.s32 $0x0;
	s3 =	sand.u32 $0xF80, s1  }
0x8: {  	s9 =	simm.s32 $0x0;
	s5 =	sshrl.u32 s1, $0xC;
	p0 =	sne.s32 s3, $0x0  }
.Ltmp0:
0x9: {  	s1 =	rddreg [dreg:$0x2];
	s4 =	simm.s32 @!p0 $0x0;
	(pc) =	sbr.rel .LBB1_1-.Ltmp0, $4  }
0xa: {  	s11 =	simm.s32 $0x0;
	s3 =	rddreg [dreg:$0x1];
	s5 =	sadd.s32 s4, s5  }
0xb: {  	_ =	strace $0x8000004A;
	s4 =	simm.s32 $0x1;
	s5 =	smul.u32 $0x32, s5  }
0xc: {  	s6 =	sadd.s32 $0x800, s6;
	s10 =	smov.u32 s2;
	[sflag:s4] =	ssyncpa.u1 $0x0  }
0xd: {  	p0 =	por $0x0, $0x0;
	[sflag:s7] =	ssyncpa.u1 $0x0;
	s7 =	sor.u32 $0x1, s5  }
.LBB1_4:
0xe: {  	s16 =	sshll.u32 s13, $0x3;
	s17 =	sand.u32 $0x78, s13  }
0xf: {  	s30 =	sand.u32 $0x7E00, s13;
	s12 =	sshll.u32 s12, $0xF;
	s16 =	sand.u32 $0xC00, s16  }
0x10: {  	[tilespmem:s15+$0x810 ss:$0x81] =	vst.msk $0xffff, v2;
	s31 =	sand.u32 $0x7, s13;
	s16 =	sor.u32 s17, s16;
	s17 =	sadd.s32 s3, s30  }
0x11: {  	[tilespmem:s15+$0x1020 ss:$0x81] =	vst.msk $0xffff, v0;
	s13 =	sshll.u32 s31, $0x12;
	s12 =	sadd.s32 s12, s17;
	s16 =	sshrl.u32 s16, $0x3  }
0x12: {  	[tilespmem:s15+$0x0 ss:$0x81] =	vst.msk $0xffff, v1;
	s13 =	sor.u32 $0x400, s13;
	s12 =	sadd.s32 s16, s12  }
0x13: {  	[hbm4b:s12+s13] =	stream.strided.scatter [tilespmem:s14], [sflag:$0x2], $0x2000, s8, s13, $0x20;
	[tilespmem:$0x8080] =	vst v63  }
.LBB1_5:
0x14: {  	s14 =	sadd.s32 $0x1, s9  }
0x15: {  	s12 =	sadd.s32 $0x1000, s10;
	s16 =	smov.u32 s10;
	p2 =	sgt.s32 s14, $0x31  }
0x16: {  	s16 =	smov.u32 @p2 s12  }
0x17: {  	s14 =	simm.s32 @p2 $0x0;
	p2 =	sgt.s32 s16, $0xFFF  }
0x18: {  	s16 =	smov.u32 @p2 s2;
	p2 =	sne.s32 s11, s7  }
.Ltmp1:
0x19: {  	p1 =	slt.u32 s11, $0x2;
	(pc) =	sbr.rel @!p2 .LBB1_6-.Ltmp1, $4  }
0x1a: {  	s15 =	simm.s32 @!p1 $0x2  }
0x1b: {  	s13 =	smov.u32 s10;
	p0 =	por !p0, !p0;
	_ =	swait.ge @!p1 [sflag:s15], $0x2000  }
0x1c: {  	s12 =	smov.u32 s9;
	[sflag:s15] =	ssyncset.done @!p1 $0x0;
	s9 =	smov.u32 s14  }
0x1d: {  	s11 =	sadd.s32 $0x1, s11;
	[sflag:s15] =	ssyncadd.s32 @!p1 $0xFFFFE000;
	s10 =	smov.u32 s16  }
.LBB1_1:
0x1e: {  	p1 =	sge.u32 s11, s5  }
0x1f: {  	s14 =	sand.u32 @!p1 $0x1FFFFFF, s9  }
0x20: {  	s15 =	smulhi.u32 @!p1 $0x4924925, s14;
	_ =	sdelay $0x1  }
0x21: {  	s15 =	smul.u32 @!p1 $0x38, s15  }
0x22: {  	s16 =	sxor.u32 @!p1 $0xFFFFFFFF, s11;
	s17 =	smul.u32 @!p1 $0x380, s10  }
0x23: {  	s31 =	sadd.s32 $0xFFFFFFFF, s11;
	s16 =	sshll.u32 @!p1 s16, $0xD;
	s14 =	ssub.s32 @!p1 s14, s15  }
0x24: {  	s15 =	sand.u32 @!p1 $0x2000, s16;
	s16 =	sadd.s32 @!p1 s6, s17;
	s14 =	sshll.u32 @!p1 s14, $0x4  }
0x25: {  	s17 =	simm.s32 @!p1 $0x1C00;
	s14 =	sadd.s32 @!p1 s14, s16;
	s16 =	simm.s32 @!p1 $0x40  }
0x26: {  	[tilespmem:s15], [sflag:$0x1] =	stream.strided.gather @!p1 [hbm4b:s14+s16], $0x2000, s17, s16, $0x38;
	[tilespmem:$0x8080] =	vst v63  }
0x27: {  	p1 =	sge.u32 s31, s5  }
.Ltmp2:
0x28: {  	_ = 	snop;
	(pc) =	sbr.rel @p1 .LBB1_5-.Ltmp2, $1  }
0x29: {  	_ =	sdelay $0x3  }
0x2a: {  	s14 =	simm.s32 $0x1  }
0x2b: {  	_ =	swait.ge [sflag:s4], $0x2000;
	s14 =	simm.s32 @!p0 $0x0  }
0x2c: {  	[sflag:s4] =	ssyncset.done $0x0;
	s15 =	sshll.u32 s14, $0xD  }
0x2d: {  	[sflag:s4] =	ssyncadd.s32 $0xFFFFE000;
	s18 =	sor.u32 $0x20, s15  }
0x2e: {  	s14 =	smul.u32 $0x8100, s14;
	v3 =	vld [tilespmem:s18+$0x10]  }
0x2f: {  	s30 =	sand.u32 $0x1, s11;
	v2 =	vld [tilespmem:s18+$0xFFFFFFF0]  }
0x30: {  	s15 =	smul.u32 $0x8100, s30;
	s14 =	sshrl.u32 s14, $0x2;
	v0 =	vld [tilespmem:s18+$0x0]  }
0x31: {  	v1 =	vld [tilespmem:s18+$0xFFFFFFE0];
	s16 =	sor.u32 $0x4000, s14  }
0x32: {  	s31 =	sshrl.u32 s15, $0x2;
	s15 =	sadd.s32 $0x0, s16  }
0x33: {  	s17 =	simm.s32 $0x4;
	s18 =	sadd.s32 $0x40, s18;
	s14 =	sor.u32 $0x4000, s31;
	[tilespmem:s15+$0x1830 ss:$0x81] =	vst.msk $0xffff, v3  }
.LBB1_3:
0x34: {  	v3 =	vld [tilespmem:s18+$0x10];
	p1 =	sne.s32 s17, $0x1FC;
	[tilespmem:s15+$0x810 ss:$0x81] =	vst.msk $0xffff, v2;
	s19 =	smov.u32 s17;
	s17 =	sadd.s32 $0x4, s17  }
.Ltmp3:
0x35: {  	v2 =	vld [tilespmem:s18+$0xFFFFFFF0];
	[tilespmem:s15+$0x1020 ss:$0x81] =	vst.msk $0xffff, v0;
	(pc) =	sbr.rel @p1 .LBB1_3-.Ltmp3, $4  }
0x36: {  	v0 =	vld [tilespmem:s18+$0x0];
	[tilespmem:s15+$0x0 ss:$0x81] =	vst.msk $0xffff, v1  }
0x37: {  	s15 =	sshra.s32 s19, $0x2;
	v1 =	vld [tilespmem:s18+$0xFFFFFFE0]  }
0x38: {  	s15 =	sadd.s32 s15, s16  }
0x39: {  	s18 =	sadd.s32 $0x40, s18;
	[tilespmem:s15+$0x1830 ss:$0x81] =	vst.msk $0xffff, v3  }
.Ltmp4:
0x3a: {  	_ = 	snop;
	(pc) =	sbr.rel .LBB1_4-.Ltmp4, $1  }
0x3b: {  	_ =	sdelay $0x3  }
.LBB1_6:
0x3c: {  	_ =	sfence.sel $0x180000  }
0x3d: {  	s2 =	simm.s32 $0x1;
	[bflag:$0x0] =	sbarrier.arrive $0xFFFF  }
0x3e: {  	s31 =	simm.s32 $0x2;
	[sflag:s2] =	ssyncpa.u1 $0x1  }
0x3f: {  	[sflag:s31] =	ssyncpa.u1 $0x1  }
0x40: {  	p0 =	sne.s32 s0, $0x0;
	_ =	strace $0x9000004A  }
0x41: {  	s0 =	sadd.s32 @!p0 $0x100000, s1;
	[bflag:$0x2] =	sbarrier.arrive $0xFFFF  }
0x42: {  	[sflag:s0] =	ssyncadd.tile.s32 @!p0 $0x1;
	_ =	shalt  }
.Lfunc_end1:
_tile_overlayer_lowered:
.L_overlay_start_2:
0x43: {  	(tag) =	ssettag $0x2  }
0x44: {  	s0 =	rddreg [dreg:$0x0];
	s2 =	stileid.u32  }
0x45: {  	s1 =	rddreg [dreg:$0x1];
	p0 =	sne.s32 s2, $0x0  }
0x46: {  	s3 =	rddreg [dreg:$0x2];
	[bflag:$0x3] =	sbarrier.arrive $0xFFFF;
	s2 =	simm.s32 @!p0 $0x1C01  }
0x47: {  	[timem:s3], [sflag:s2] =	dma.local @!p0 [hbm:s0], s1  }
0x48: {  	s0 =	simm.s32 @!p0 $0x1  }
0x49: {  	_ =	swait.ge @!p0 [sflag:s0], s1  }
0x4a: {  	s1 =	ssub.s32 @!p0 $0x0, s1;
	[sflag:s0] =	ssyncset.done @!p0 $0x0  }
0x4b: {  	[sflag:s0] =	ssyncadd.s32 @!p0 s1  }
0x4c: {  	[bflag:$0x3] =	sbarrier.arrive $0xFFFF  }
0x4d: {  	_ =	shalt  }

</sc_bundles>
